<compile_context>
chip_gen: v7x
topology: tpu7x:2x2x1
jax: 0.10.2.dev20260603
libtpu: 0.0.44.dev20260713+nightly
codegen_flags: <defaults>
</compile_context>

<pallas_src>
import jax
import jax.numpy as jnp
from jax import lax
from jax.experimental import pallas as pl
from jax.experimental.pallas import tpu as pltpu
from jax.experimental.pallas import tpu_sc as plsc

_L = 16
_QV = 4
_QG = _L * _QV
_SC_FRAC = 0.3125



def _tc_body(x_ref, ya_ref, dist_ref, idx_ref):
    x = x_ref[0]
    ya = ya_ref[0]
    nt = x.shape[0]
    m = ya.shape[1]
    t = (x[:, 0:1] * ya[0:1, :] + ya[3:4, :]
         + x[:, 1:2] * ya[1:2, :]
         + x[:, 2:3] * ya[2:3, :])
    mn = jnp.min(t, axis=1, keepdims=True)
    iota = jax.lax.broadcasted_iota(jnp.int32, (nt, m), 1).astype(jnp.float32)
    idx_f = jnp.min(jnp.where(t == mn, iota, jnp.float32(m)), axis=1)
    c0 = x[:, 0:1]
    c1 = x[:, 1:2]
    c2 = x[:, 2:3]
    xx = c0 * c0 + c1 * c1 + c2 * c2
    dist_ref[0, 0, 0] = (mn + xx)[:, 0]
    idx_ref[0, 0, 0] = idx_f.astype(jnp.int32)


def _tc_chamfer(x, ya):
    b, n, _ = x.shape
    m = ya.shape[2]
    nt = n
    for cand in (512, 256, 128, 64, 32, 16, 8):
        if n % cand == 0:
            nt = cand
            break
    n_tiles = n // nt
    dist, idx = pl.pallas_call(
        _tc_body,
        grid=(b, n_tiles),
        in_specs=[
            pl.BlockSpec((1, nt, 3), lambda bi, i: (bi, i, 0)),
            pl.BlockSpec((1, 4, m), lambda bi, i: (bi, 0, 0)),
        ],
        out_specs=[
            pl.BlockSpec((1, 1, 1, nt), lambda bi, i: (bi, i, 0, 0)),
            pl.BlockSpec((1, 1, 1, nt), lambda bi, i: (bi, i, 0, 0)),
        ],
        out_shape=[
            jax.ShapeDtypeStruct((b, n_tiles, 1, nt), jnp.float32),
            jax.ShapeDtypeStruct((b, n_tiles, 1, nt), jnp.int32),
        ],
    )(x, ya)
    return dist.reshape(b, n), idx.reshape(b, n)



def _sc_body(x0h, x1h, x2h, w0h, w1h, w2h, wyh, disth, idxh,
             x0v, x1v, x2v, y0v, y1v, y2v, yyv, odv, oiv):
    info = plsc.get_sparse_core_info()
    nc = info.num_cores
    wid = lax.axis_index("s") * nc + lax.axis_index("c")
    n_w = x0v.shape[0]
    m = y0v.shape[0]
    n_per_batch = x0h.shape[0] // w0h.shape[0]
    base = wid * n_w
    batch = lax.div(base, n_per_batch)
    pltpu.sync_copy(x0h.at[pl.ds(base, n_w)], x0v)
    pltpu.sync_copy(x1h.at[pl.ds(base, n_w)], x1v)
    pltpu.sync_copy(x2h.at[pl.ds(base, n_w)], x2v)
    pltpu.sync_copy(w0h.at[batch], y0v)
    pltpu.sync_copy(w1h.at[batch], y1v)
    pltpu.sync_copy(w2h.at[batch], y2v)
    pltpu.sync_copy(wyh.at[batch], yyv)

    inf = jnp.full((_L,), 3.0e38, jnp.float32)
    zero_i = jnp.zeros((_L,), jnp.int32)

    def per_group(g, _):
        qb = g * _QG
        xs = []
        for r in range(_QV):
            o = qb + r * _L
            xs.append((x0v[pl.ds(o, _L)], x1v[pl.ds(o, _L)], x2v[pl.ds(o, _L)]))

        def per_chunk(mc, carry):
            bv = list(carry[:_QV])
            bi = list(carry[_QV:])
            for j in range(_L):
                mi = mc * _L + j
                miv = jnp.full((_L,), mi, jnp.int32)
                y0 = plsc.load_gather(y0v, [miv])
                y1 = plsc.load_gather(y1v, [miv])
                y2 = plsc.load_gather(y2v, [miv])
                yy = plsc.load_gather(yyv, [miv])
                for r in range(_QV):
                    x0, x1, x2 = xs[r]
                    t = yy + x0 * y0 + x1 * y1 + x2 * y2
                    mask = t < bv[r]
                    bv[r] = jnp.where(mask, t, bv[r])
                    bi[r] = jnp.where(mask, miv, bi[r])
            return tuple(bv) + tuple(bi)

        carry = lax.fori_loop(0, m // _L, per_chunk,
                              (inf,) * _QV + (zero_i,) * _QV)
        for r in range(_QV):
            x0, x1, x2 = xs[r]
            xx = x0 * x0 + x1 * x1 + x2 * x2
            o = qb + r * _L
            odv[pl.ds(o, _L)] = carry[r] + xx
            oiv[pl.ds(o, _L)] = carry[_QV + r]
        return 0

    lax.fori_loop(0, n_w // _QG, per_group, 0)
    pltpu.sync_copy(odv, disth.at[pl.ds(base, n_w)])
    pltpu.sync_copy(oiv, idxh.at[pl.ds(base, n_w)])


def _sc_chamfer(x0, x1, x2, w0, w1, w2, wy):
    nq = x0.shape[0]
    m = w0.shape[1]
    info = plsc.get_sparse_core_info()
    nw = info.num_cores * info.num_subcores
    n_w = nq // nw
    mesh = plsc.VectorSubcoreMesh(core_axis_name="c", subcore_axis_name="s")
    f = pl.kernel(
        _sc_body,
        out_type=[
            jax.ShapeDtypeStruct((nq,), jnp.float32),
            jax.ShapeDtypeStruct((nq,), jnp.int32),
        ],
        mesh=mesh,
        compiler_params=pltpu.CompilerParams(needs_layout_passes=False),
        scratch_types=[
            pltpu.VMEM((n_w,), jnp.float32),
            pltpu.VMEM((n_w,), jnp.float32),
            pltpu.VMEM((n_w,), jnp.float32),
            pltpu.VMEM((m,), jnp.float32),
            pltpu.VMEM((m,), jnp.float32),
            pltpu.VMEM((m,), jnp.float32),
            pltpu.VMEM((m,), jnp.float32),
            pltpu.VMEM((n_w,), jnp.float32),
            pltpu.VMEM((n_w,), jnp.int32),
        ],
    )
    return f(x0, x1, x2, w0, w1, w2, wy)


def _sc_split(b, n):
    if b != 8:
        return 0
    grain = 4 * _QG
    ns = (int(n * _SC_FRAC) // grain) * grain
    if ns <= 0 or ns >= n:
        return 0
    return ns


def kernel(input1, input2):
    b, n, _ = input1.shape
    m = input2.shape[1]
    yt = jnp.transpose(input2, (0, 2, 1))
    wy = jnp.sum(input2 * input2, axis=2)
    ya = jnp.concatenate([-2.0 * yt, wy[:, None, :]], axis=1)
    ns = _sc_split(b, n)
    if ns == 0:
        dist, idx = _tc_chamfer(input1, ya)
        return dist, idx
    n_tc = n - ns
    dist_tc, idx_tc = _tc_chamfer(input1[:, :n_tc], ya)
    xs = input1[:, n_tc:]
    sc_dist, sc_idx = _sc_chamfer(
        xs[:, :, 0].reshape(-1), xs[:, :, 1].reshape(-1),
        xs[:, :, 2].reshape(-1),
        -2.0 * input2[:, :, 0], -2.0 * input2[:, :, 1],
        -2.0 * input2[:, :, 2], wy)
    dist = jnp.concatenate([dist_tc, sc_dist.reshape(b, ns)], axis=1)
    idx = jnp.concatenate([idx_tc, sc_idx.reshape(b, ns)], axis=1)
    return dist, idx

# --- scband reference (transcript-rebuilt; emitter-appended) ---
"""Pipeline reference for scband-chamfer-distance-11742440588129 (READ-ONLY COPY).

The authoritative reference and input builder live on the scoring server;
editing this copy changes nothing except your own understanding.
"""

import jax, jax.numpy as jnp
import numpy as np


def setup_inputs(seed: int = 0) -> dict:
    key = jax.random.key(seed)
    k1, k2 = jax.random.split(key)
    input1 = jax.random.normal(k1, (8, 4096, 3), dtype=jnp.float32)
    input2 = jax.random.normal(k2, (8, 4096, 3), dtype=jnp.float32)
    return {"input1": input1, "input2": input2}


def reference(input1, input2):
    # Chamfer forward (one-directional, as in the CUDA kernel): for each point
    # in input1, squared distance to its nearest neighbor in input2, plus the
    # index of that neighbor.
    # d[b, n, m] = ||input1[b, n] - input2[b, m]||^2
    diff = input1[:, :, None, :] - input2[:, None, :, :]  # [B, N, M, 3]
    d = jnp.sum(diff * diff, axis=-1)                      # [B, N, M]
    dist1 = jnp.min(d, axis=-1)                            # [B, N]
    idx1 = jnp.argmin(d, axis=-1).astype(jnp.int32)        # [B, N]
    return dist1, idx1

if __name__ == "__main__":
    import jax
    _d = setup_inputs()
    print(jax.jit(kernel)(*tuple(_d.values())))

</pallas_src>

<mosaic_0001>
#map = affine_map<(d0, d1) -> (0)>
#map1 = affine_map<(d0, d1) -> (0, 0)>
module attributes {stable_mosaic.version = 14 : i64} {
  func.func @_sc_body(%arg0: i32, %arg1: i32, %arg2: memref<10240xf32, #tpu.memory_space<hbm>>, %arg3: memref<10240xf32, #tpu.memory_space<hbm>>, %arg4: memref<10240xf32, #tpu.memory_space<hbm>>, %arg5: memref<8x4096xf32, #tpu.memory_space<hbm>>, %arg6: memref<8x4096xf32, #tpu.memory_space<hbm>>, %arg7: memref<8x4096xf32, #tpu.memory_space<hbm>>, %arg8: memref<8x4096xf32, #tpu.memory_space<hbm>>, %arg9: memref<10240xf32, #tpu.memory_space<hbm>>, %arg10: memref<10240xi32, #tpu.memory_space<hbm>>, %arg11: memref<320xf32, #tpu.memory_space<vmem>>, %arg12: memref<320xf32, #tpu.memory_space<vmem>>, %arg13: memref<320xf32, #tpu.memory_space<vmem>>, %arg14: memref<4096xf32, #tpu.memory_space<vmem>>, %arg15: memref<4096xf32, #tpu.memory_space<vmem>>, %arg16: memref<4096xf32, #tpu.memory_space<vmem>>, %arg17: memref<4096xf32, #tpu.memory_space<vmem>>, %arg18: memref<320xf32, #tpu.memory_space<vmem>>, %arg19: memref<320xi32, #tpu.memory_space<vmem>>) attributes {dimension_semantics = [#tpu.dimension_semantics<core_parallel>, #tpu.dimension_semantics<subcore_parallel>], iteration_bounds = array<i64: 2, 16>, scalar_prefetch = 0 : i64, scratch_operands = 9 : i64, tpu.core_type = #tpu.core_type<sc_vector_subcore>, window_params = [{transform_indices = #map}, {transform_indices = #map}, {transform_indices = #map}, {transform_indices = #map1}, {transform_indices = #map1}, {transform_indices = #map1}, {transform_indices = #map1}, {transform_indices = #map}, {transform_indices = #map}]} {
    %mul3A = arith.constant 2 : i32
    %mul3A_0 = arith.muli %arg1, %mul3A : i32
    %add3A = arith.addi %mul3A_0, %arg0 : i32
    %mul3A_1 = arith.constant 320 : i32
    %mul3A_2 = arith.muli %add3A, %mul3A_1 : i32
    %div3A = arith.constant 1280 : i32
    %div3A_3 = arith.divsi %mul3A_2, %div3A : i32
    "tpu.region"() ({
      %run_scoped3A = tpu.sem_alloc : memref<!tpu.dma_semaphore, #tpu.memory_space<semaphore_mem>>
      %dma_start3A = tpu.memref_slice %arg2[%mul3A_2] : memref<10240xf32, #tpu.memory_space<hbm>> -> memref<320xf32, #tpu.memory_space<hbm>>
      %dma_start3A_13 = tpu.memref_slice %arg2[%mul3A_2] : memref<10240xf32, #tpu.memory_space<hbm>> -> memref<320xf32, #tpu.memory_space<hbm>>
      tpu.enqueue_dma source(%dma_start3A_13 : memref<320xf32, #tpu.memory_space<hbm>>) target(%arg11 : memref<320xf32, #tpu.memory_space<vmem>>) target_semaphore(%run_scoped3A : memref<!tpu.dma_semaphore, #tpu.memory_space<semaphore_mem>>)
      %dma_wait3A = tpu.memref_slice %arg2[%mul3A_2] : memref<10240xf32, #tpu.memory_space<hbm>> -> memref<320xf32, #tpu.memory_space<hbm>>
      %dma_wait3A_14 = tpu.memref_slice %arg2[%mul3A_2] : memref<10240xf32, #tpu.memory_space<hbm>> -> memref<320xf32, #tpu.memory_space<hbm>>
      tpu.wait_dma2 semaphore(%run_scoped3A : memref<!tpu.dma_semaphore, #tpu.memory_space<semaphore_mem>>) src(%dma_wait3A_14 : memref<320xf32, #tpu.memory_space<hbm>>) dst(%arg11 : memref<320xf32, #tpu.memory_space<vmem>>)
      tpu.yield
    }) : () -> ()
    "tpu.region"() ({
      %run_scoped3A = tpu.sem_alloc : memref<!tpu.dma_semaphore, #tpu.memory_space<semaphore_mem>>
      %dma_start3A = tpu.memref_slice %arg3[%mul3A_2] : memref<10240xf32, #tpu.memory_space<hbm>> -> memref<320xf32, #tpu.memory_space<hbm>>
      %dma_start3A_13 = tpu.memref_slice %arg3[%mul3A_2] : memref<10240xf32, #tpu.memory_space<hbm>> -> memref<320xf32, #tpu.memory_space<hbm>>
      tpu.enqueue_dma source(%dma_start3A_13 : memref<320xf32, #tpu.memory_space<hbm>>) target(%arg12 : memref<320xf32, #tpu.memory_space<vmem>>) target_semaphore(%run_scoped3A : memref<!tpu.dma_semaphore, #tpu.memory_space<semaphore_mem>>)
      %dma_wait3A = tpu.memref_slice %arg3[%mul3A_2] : memref<10240xf32, #tpu.memory_space<hbm>> -> memref<320xf32, #tpu.memory_space<hbm>>
      %dma_wait3A_14 = tpu.memref_slice %arg3[%mul3A_2] : memref<10240xf32, #tpu.memory_space<hbm>> -> memref<320xf32, #tpu.memory_space<hbm>>
      tpu.wait_dma2 semaphore(%run_scoped3A : memref<!tpu.dma_semaphore, #tpu.memory_space<semaphore_mem>>) src(%dma_wait3A_14 : memref<320xf32, #tpu.memory_space<hbm>>) dst(%arg12 : memref<320xf32, #tpu.memory_space<vmem>>)
      tpu.yield
    }) : () -> ()
    "tpu.region"() ({
      %run_scoped3A = tpu.sem_alloc : memref<!tpu.dma_semaphore, #tpu.memory_space<semaphore_mem>>
      %dma_start3A = tpu.memref_slice %arg4[%mul3A_2] : memref<10240xf32, #tpu.memory_space<hbm>> -> memref<320xf32, #tpu.memory_space<hbm>>
      %dma_start3A_13 = tpu.memref_slice %arg4[%mul3A_2] : memref<10240xf32, #tpu.memory_space<hbm>> -> memref<320xf32, #tpu.memory_space<hbm>>
      tpu.enqueue_dma source(%dma_start3A_13 : memref<320xf32, #tpu.memory_space<hbm>>) target(%arg13 : memref<320xf32, #tpu.memory_space<vmem>>) target_semaphore(%run_scoped3A : memref<!tpu.dma_semaphore, #tpu.memory_space<semaphore_mem>>)
      %dma_wait3A = tpu.memref_slice %arg4[%mul3A_2] : memref<10240xf32, #tpu.memory_space<hbm>> -> memref<320xf32, #tpu.memory_space<hbm>>
      %dma_wait3A_14 = tpu.memref_slice %arg4[%mul3A_2] : memref<10240xf32, #tpu.memory_space<hbm>> -> memref<320xf32, #tpu.memory_space<hbm>>
      tpu.wait_dma2 semaphore(%run_scoped3A : memref<!tpu.dma_semaphore, #tpu.memory_space<semaphore_mem>>) src(%dma_wait3A_14 : memref<320xf32, #tpu.memory_space<hbm>>) dst(%arg13 : memref<320xf32, #tpu.memory_space<vmem>>)
      tpu.yield
    }) : () -> ()
    "tpu.region"() ({
      %run_scoped3A = tpu.sem_alloc : memref<!tpu.dma_semaphore, #tpu.memory_space<semaphore_mem>>
      %dma_start3A = arith.constant 0 : i32
      %dma_start3A_13 = tpu.memref_slice %arg5[%div3A_3, %dma_start3A] : memref<8x4096xf32, #tpu.memory_space<hbm>> -> memref<1x4096xf32, #tpu.memory_space<hbm>>
      %dma_start3A_14 = tpu.memref_squeeze %dma_start3A_13 : memref<1x4096xf32, #tpu.memory_space<hbm>> -> memref<4096xf32, #tpu.memory_space<hbm>>
      %dma_start3A_15 = arith.constant 0 : i32
      %dma_start3A_16 = tpu.memref_slice %arg5[%div3A_3, %dma_start3A_15] : memref<8x4096xf32, #tpu.memory_space<hbm>> -> memref<1x4096xf32, #tpu.memory_space<hbm>>
      %dma_start3A_17 = tpu.memref_squeeze %dma_start3A_16 : memref<1x4096xf32, #tpu.memory_space<hbm>> -> memref<4096xf32, #tpu.memory_space<hbm>>
      tpu.enqueue_dma source(%dma_start3A_17 : memref<4096xf32, #tpu.memory_space<hbm>>) target(%arg14 : memref<4096xf32, #tpu.memory_space<vmem>>) target_semaphore(%run_scoped3A : memref<!tpu.dma_semaphore, #tpu.memory_space<semaphore_mem>>)
      %dma_wait3A = arith.constant 0 : i32
      %dma_wait3A_18 = tpu.memref_slice %arg5[%div3A_3, %dma_wait3A] : memref<8x4096xf32, #tpu.memory_space<hbm>> -> memref<1x4096xf32, #tpu.memory_space<hbm>>
      %dma_wait3A_19 = tpu.memref_squeeze %dma_wait3A_18 : memref<1x4096xf32, #tpu.memory_space<hbm>> -> memref<4096xf32, #tpu.memory_space<hbm>>
      %dma_wait3A_20 = arith.constant 0 : i32
      %dma_wait3A_21 = tpu.memref_slice %arg5[%div3A_3, %dma_wait3A_20] : memref<8x4096xf32, #tpu.memory_space<hbm>> -> memref<1x4096xf32, #tpu.memory_space<hbm>>
      %dma_wait3A_22 = tpu.memref_squeeze %dma_wait3A_21 : memref<1x4096xf32, #tpu.memory_space<hbm>> -> memref<4096xf32, #tpu.memory_space<hbm>>
      tpu.wait_dma2 semaphore(%run_scoped3A : memref<!tpu.dma_semaphore, #tpu.memory_space<semaphore_mem>>) src(%dma_wait3A_22 : memref<4096xf32, #tpu.memory_space<hbm>>) dst(%arg14 : memref<4096xf32, #tpu.memory_space<vmem>>)
      tpu.yield
    }) : () -> ()
    "tpu.region"() ({
      %run_scoped3A = tpu.sem_alloc : memref<!tpu.dma_semaphore, #tpu.memory_space<semaphore_mem>>
      %dma_start3A = arith.constant 0 : i32
      %dma_start3A_13 = tpu.memref_slice %arg6[%div3A_3, %dma_start3A] : memref<8x4096xf32, #tpu.memory_space<hbm>> -> memref<1x4096xf32, #tpu.memory_space<hbm>>
      %dma_start3A_14 = tpu.memref_squeeze %dma_start3A_13 : memref<1x4096xf32, #tpu.memory_space<hbm>> -> memref<4096xf32, #tpu.memory_space<hbm>>
      %dma_start3A_15 = arith.constant 0 : i32
      %dma_start3A_16 = tpu.memref_slice %arg6[%div3A_3, %dma_start3A_15] : memref<8x4096xf32, #tpu.memory_space<hbm>> -> memref<1x4096xf32, #tpu.memory_space<hbm>>
      %dma_start3A_17 = tpu.memref_squeeze %dma_start3A_16 : memref<1x4096xf32, #tpu.memory_space<hbm>> -> memref<4096xf32, #tpu.memory_space<hbm>>
      tpu.enqueue_dma source(%dma_start3A_17 : memref<4096xf32, #tpu.memory_space<hbm>>) target(%arg15 : memref<4096xf32, #tpu.memory_space<vmem>>) target_semaphore(%run_scoped3A : memref<!tpu.dma_semaphore, #tpu.memory_space<semaphore_mem>>)
      %dma_wait3A = arith.constant 0 : i32
      %dma_wait3A_18 = tpu.memref_slice %arg6[%div3A_3, %dma_wait3A] : memref<8x4096xf32, #tpu.memory_space<hbm>> -> memref<1x4096xf32, #tpu.memory_space<hbm>>
      %dma_wait3A_19 = tpu.memref_squeeze %dma_wait3A_18 : memref<1x4096xf32, #tpu.memory_space<hbm>> -> memref<4096xf32, #tpu.memory_space<hbm>>
      %dma_wait3A_20 = arith.constant 0 : i32
      %dma_wait3A_21 = tpu.memref_slice %arg6[%div3A_3, %dma_wait3A_20] : memref<8x4096xf32, #tpu.memory_space<hbm>> -> memref<1x4096xf32, #tpu.memory_space<hbm>>
      %dma_wait3A_22 = tpu.memref_squeeze %dma_wait3A_21 : memref<1x4096xf32, #tpu.memory_space<hbm>> -> memref<4096xf32, #tpu.memory_space<hbm>>
      tpu.wait_dma2 semaphore(%run_scoped3A : memref<!tpu.dma_semaphore, #tpu.memory_space<semaphore_mem>>) src(%dma_wait3A_22 : memref<4096xf32, #tpu.memory_space<hbm>>) dst(%arg15 : memref<4096xf32, #tpu.memory_space<vmem>>)
      tpu.yield
    }) : () -> ()
    "tpu.region"() ({
      %run_scoped3A = tpu.sem_alloc : memref<!tpu.dma_semaphore, #tpu.memory_space<semaphore_mem>>
      %dma_start3A = arith.constant 0 : i32
      %dma_start3A_13 = tpu.memref_slice %arg7[%div3A_3, %dma_start3A] : memref<8x4096xf32, #tpu.memory_space<hbm>> -> memref<1x4096xf32, #tpu.memory_space<hbm>>
      %dma_start3A_14 = tpu.memref_squeeze %dma_start3A_13 : memref<1x4096xf32, #tpu.memory_space<hbm>> -> memref<4096xf32, #tpu.memory_space<hbm>>
      %dma_start3A_15 = arith.constant 0 : i32
      %dma_start3A_16 = tpu.memref_slice %arg7[%div3A_3, %dma_start3A_15] : memref<8x4096xf32, #tpu.memory_space<hbm>> -> memref<1x4096xf32, #tpu.memory_space<hbm>>
      %dma_start3A_17 = tpu.memref_squeeze %dma_start3A_16 : memref<1x4096xf32, #tpu.memory_space<hbm>> -> memref<4096xf32, #tpu.memory_space<hbm>>
      tpu.enqueue_dma source(%dma_start3A_17 : memref<4096xf32, #tpu.memory_space<hbm>>) target(%arg16 : memref<4096xf32, #tpu.memory_space<vmem>>) target_semaphore(%run_scoped3A : memref<!tpu.dma_semaphore, #tpu.memory_space<semaphore_mem>>)
      %dma_wait3A = arith.constant 0 : i32
      %dma_wait3A_18 = tpu.memref_slice %arg7[%div3A_3, %dma_wait3A] : memref<8x4096xf32, #tpu.memory_space<hbm>> -> memref<1x4096xf32, #tpu.memory_space<hbm>>
      %dma_wait3A_19 = tpu.memref_squeeze %dma_wait3A_18 : memref<1x4096xf32, #tpu.memory_space<hbm>> -> memref<4096xf32, #tpu.memory_space<hbm>>
      %dma_wait3A_20 = arith.constant 0 : i32
      %dma_wait3A_21 = tpu.memref_slice %arg7[%div3A_3, %dma_wait3A_20] : memref<8x4096xf32, #tpu.memory_space<hbm>> -> memref<1x4096xf32, #tpu.memory_space<hbm>>
      %dma_wait3A_22 = tpu.memref_squeeze %dma_wait3A_21 : memref<1x4096xf32, #tpu.memory_space<hbm>> -> memref<4096xf32, #tpu.memory_space<hbm>>
      tpu.wait_dma2 semaphore(%run_scoped3A : memref<!tpu.dma_semaphore, #tpu.memory_space<semaphore_mem>>) src(%dma_wait3A_22 : memref<4096xf32, #tpu.memory_space<hbm>>) dst(%arg16 : memref<4096xf32, #tpu.memory_space<vmem>>)
      tpu.yield
    }) : () -> ()
    "tpu.region"() ({
      %run_scoped3A = tpu.sem_alloc : memref<!tpu.dma_semaphore, #tpu.memory_space<semaphore_mem>>
      %dma_start3A = arith.constant 0 : i32
      %dma_start3A_13 = tpu.memref_slice %arg8[%div3A_3, %dma_start3A] : memref<8x4096xf32, #tpu.memory_space<hbm>> -> memref<1x4096xf32, #tpu.memory_space<hbm>>
      %dma_start3A_14 = tpu.memref_squeeze %dma_start3A_13 : memref<1x4096xf32, #tpu.memory_space<hbm>> -> memref<4096xf32, #tpu.memory_space<hbm>>
      %dma_start3A_15 = arith.constant 0 : i32
      %dma_start3A_16 = tpu.memref_slice %arg8[%div3A_3, %dma_start3A_15] : memref<8x4096xf32, #tpu.memory_space<hbm>> -> memref<1x4096xf32, #tpu.memory_space<hbm>>
      %dma_start3A_17 = tpu.memref_squeeze %dma_start3A_16 : memref<1x4096xf32, #tpu.memory_space<hbm>> -> memref<4096xf32, #tpu.memory_space<hbm>>
      tpu.enqueue_dma source(%dma_start3A_17 : memref<4096xf32, #tpu.memory_space<hbm>>) target(%arg17 : memref<4096xf32, #tpu.memory_space<vmem>>) target_semaphore(%run_scoped3A : memref<!tpu.dma_semaphore, #tpu.memory_space<semaphore_mem>>)
      %dma_wait3A = arith.constant 0 : i32
      %dma_wait3A_18 = tpu.memref_slice %arg8[%div3A_3, %dma_wait3A] : memref<8x4096xf32, #tpu.memory_space<hbm>> -> memref<1x4096xf32, #tpu.memory_space<hbm>>
      %dma_wait3A_19 = tpu.memref_squeeze %dma_wait3A_18 : memref<1x4096xf32, #tpu.memory_space<hbm>> -> memref<4096xf32, #tpu.memory_space<hbm>>
      %dma_wait3A_20 = arith.constant 0 : i32
      %dma_wait3A_21 = tpu.memref_slice %arg8[%div3A_3, %dma_wait3A_20] : memref<8x4096xf32, #tpu.memory_space<hbm>> -> memref<1x4096xf32, #tpu.memory_space<hbm>>
      %dma_wait3A_22 = tpu.memref_squeeze %dma_wait3A_21 : memref<1x4096xf32, #tpu.memory_space<hbm>> -> memref<4096xf32, #tpu.memory_space<hbm>>
      tpu.wait_dma2 semaphore(%run_scoped3A : memref<!tpu.dma_semaphore, #tpu.memory_space<semaphore_mem>>) src(%dma_wait3A_22 : memref<4096xf32, #tpu.memory_space<hbm>>) dst(%arg17 : memref<4096xf32, #tpu.memory_space<vmem>>)
      tpu.yield
    }) : () -> ()
    %broadcast_in_dim3A = arith.constant 3.000000e+38 : f32
    %broadcast_in_dim3A_4 = vector.broadcast %broadcast_in_dim3A : f32 to vector<16xf32>
    %broadcast_in_dim3A_5 = arith.constant 0 : i32
    %broadcast_in_dim3A_6 = vector.broadcast %broadcast_in_dim3A_5 : i32 to vector<16xi32>
    %scan3A = arith.constant 0 : i32
    %scan3A_7 = arith.constant 0 : i32
    %scan3A_8 = arith.constant 5 : i32
    %scan3A_9 = arith.addi %scan3A_7, %scan3A_8 : i32
    %scan3A_10 = arith.constant 1 : i32
    %scan3A_11 = scf.for %scan3A_13 = %scan3A_7 to %scan3A_9 step %scan3A_10 iter_args(%scan3A_14 = %scan3A) -> (i32)  : i32 {
      %mul3A_15 = arith.constant 64 : i32
      %mul3A_16 = arith.muli %scan3A_13, %mul3A_15 : i32
      %add3A_17 = arith.constant 0 : i32
      %add3A_18 = arith.addi %mul3A_16, %add3A_17 : i32
      %get3A = arith.index_cast %add3A_18 : i32 to index
      %get3A_19 = tpu.vector_load %arg11[%get3A] {strides = array<i32>} : memref<320xf32, #tpu.memory_space<vmem>>, vector<16xf32>,
      %get3A_20 = arith.index_cast %add3A_18 : i32 to index
      %get3A_21 = tpu.vector_load %arg12[%get3A_20] {strides = array<i32>} : memref<320xf32, #tpu.memory_space<vmem>>, vector<16xf32>,
      %get3A_22 = arith.index_cast %add3A_18 : i32 to index
      %get3A_23 = tpu.vector_load %arg13[%get3A_22] {strides = array<i32>} : memref<320xf32, #tpu.memory_space<vmem>>, vector<16xf32>,
      %add3A_24 = arith.constant 16 : i32
      %add3A_25 = arith.addi %mul3A_16, %add3A_24 : i32
      %get3A_26 = arith.index_cast %add3A_25 : i32 to index
      %get3A_27 = tpu.vector_load %arg11[%get3A_26] {strides = array<i32>} : memref<320xf32, #tpu.memory_space<vmem>>, vector<16xf32>,
      %get3A_28 = arith.index_cast %add3A_25 : i32 to index
      %get3A_29 = tpu.vector_load %arg12[%get3A_28] {strides = array<i32>} : memref<320xf32, #tpu.memory_space<vmem>>, vector<16xf32>,
      %get3A_30 = arith.index_cast %add3A_25 : i32 to index
      %get3A_31 = tpu.vector_load %arg13[%get3A_30] {strides = array<i32>} : memref<320xf32, #tpu.memory_space<vmem>>, vector<16xf32>,
      %add3A_32 = arith.constant 32 : i32
      %add3A_33 = arith.addi %mul3A_16, %add3A_32 : i32
      %get3A_34 = arith.index_cast %add3A_33 : i32 to index
      %get3A_35 = tpu.vector_load %arg11[%get3A_34] {strides = array<i32>} : memref<320xf32, #tpu.memory_space<vmem>>, vector<16xf32>,
      %get3A_36 = arith.index_cast %add3A_33 : i32 to index
      %get3A_37 = tpu.vector_load %arg12[%get3A_36] {strides = array<i32>} : memref<320xf32, #tpu.memory_space<vmem>>, vector<16xf32>,
      %get3A_38 = arith.index_cast %add3A_33 : i32 to index
      %get3A_39 = tpu.vector_load %arg13[%get3A_38] {strides = array<i32>} : memref<320xf32, #tpu.memory_space<vmem>>, vector<16xf32>,
      %add3A_40 = arith.constant 48 : i32
      %add3A_41 = arith.addi %mul3A_16, %add3A_40 : i32
      %get3A_42 = arith.index_cast %add3A_41 : i32 to index
      %get3A_43 = tpu.vector_load %arg11[%get3A_42] {strides = array<i32>} : memref<320xf32, #tpu.memory_space<vmem>>, vector<16xf32>,
      %get3A_44 = arith.index_cast %add3A_41 : i32 to index
      %get3A_45 = tpu.vector_load %arg12[%get3A_44] {strides = array<i32>} : memref<320xf32, #tpu.memory_space<vmem>>, vector<16xf32>,
      %get3A_46 = arith.index_cast %add3A_41 : i32 to index
      %get3A_47 = tpu.vector_load %arg13[%get3A_46] {strides = array<i32>} : memref<320xf32, #tpu.memory_space<vmem>>, vector<16xf32>,
      %scan3A_48 = arith.constant 0 : i32
      %scan3A_49 = arith.constant 256 : i32
      %scan3A_50 = arith.addi %scan3A_48, %scan3A_49 : i32
      %scan3A_51 = arith.constant 1 : i32
      %scan3A_52:8 = scf.for %scan3A_102 = %scan3A_48 to %scan3A_50 step %scan3A_51 iter_args(%scan3A_103 = %broadcast_in_dim3A_4, %scan3A_104 = %broadcast_in_dim3A_4, %scan3A_105 = %broadcast_in_dim3A_4, %scan3A_106 = %broadcast_in_dim3A_4, %scan3A_107 = %broadcast_in_dim3A_6, %scan3A_108 = %broadcast_in_dim3A_6, %scan3A_109 = %broadcast_in_dim3A_6, %scan3A_110 = %broadcast_in_dim3A_6) -> (vector<16xf32>, vector<16xf32>, vector<16xf32>, vector<16xf32>, vector<16xi32>, vector<16xi32>, vector<16xi32>, vector<16xi32>)  : i32 {
        %mul3A_111 = arith.constant 16 : i32
        %mul3A_112 = arith.muli %scan3A_102, %mul3A_111 : i32
        %add3A_113 = arith.constant 0 : i32
        %add3A_114 = arith.addi %mul3A_112, %add3A_113 : i32
        %broadcast_in_dim3A_115 = vector.broadcast %add3A_114 : i32 to vector<16xi32>
        %gather3A = tpu.vector_load_idx %arg14[%broadcast_in_dim3A_115] : memref<4096xf32, #tpu.memory_space<vmem>>[vector<16xi32>], vector<16xf32>,
        %gather3A_116 = tpu.vector_load_idx %arg15[%broadcast_in_dim3A_115] : memref<4096xf32, #tpu.memory_space<vmem>>[vector<16xi32>], vector<16xf32>,
        %gather3A_117 = tpu.vector_load_idx %arg16[%broadcast_in_dim3A_115] : memref<4096xf32, #tpu.memory_space<vmem>>[vector<16xi32>], vector<16xf32>,
        %gather3A_118 = tpu.vector_load_idx %arg17[%broadcast_in_dim3A_115] : memref<4096xf32, #tpu.memory_space<vmem>>[vector<16xi32>], vector<16xf32>,
        %mul3A_119 = arith.mulf %get3A_19, %gather3A : vector<16xf32>
        %add3A_120 = arith.addf %gather3A_118, %mul3A_119 : vector<16xf32>
        %mul3A_121 = arith.mulf %get3A_21, %gather3A_116 : vector<16xf32>
        %add3A_122 = arith.addf %add3A_120, %mul3A_121 : vector<16xf32>
        %mul3A_123 = arith.mulf %get3A_23, %gather3A_117 : vector<16xf32>
        %add3A_124 = arith.addf %add3A_122, %mul3A_123 : vector<16xf32>
        %lt3A = arith.cmpf olt, %add3A_124, %scan3A_103 : vector<16xf32>
        %select_n3A = arith.select %lt3A, %add3A_124, %scan3A_103 : vector<16xi1>, vector<16xf32>
        %select_n3A_125 = arith.select %lt3A, %broadcast_in_dim3A_115, %scan3A_107 : vector<16xi1>, vector<16xi32>
        %mul3A_126 = arith.mulf %get3A_27, %gather3A : vector<16xf32>
        %add3A_127 = arith.addf %gather3A_118, %mul3A_126 : vector<16xf32>
        %mul3A_128 = arith.mulf %get3A_29, %gather3A_116 : vector<16xf32>
        %add3A_129 = arith.addf %add3A_127, %mul3A_128 : vector<16xf32>
        %mul3A_130 = arith.mulf %get3A_31, %gather3A_117 : vector<16xf32>
        %add3A_131 = arith.addf %add3A_129, %mul3A_130 : vector<16xf32>
        %lt3A_132 = arith.cmpf olt, %add3A_131, %scan3A_104 : vector<16xf32>
        %select_n3A_133 = arith.select %lt3A_132, %add3A_131, %scan3A_104 : vector<16xi1>, vector<16xf32>
        %select_n3A_134 = arith.select %lt3A_132, %broadcast_in_dim3A_115, %scan3A_108 : vector<16xi1>, vector<16xi32>
        %mul3A_135 = arith.mulf %get3A_35, %gather3A : vector<16xf32>
        %add3A_136 = arith.addf %gather3A_118, %mul3A_135 : vector<16xf32>
        %mul3A_137 = arith.mulf %get3A_37, %gather3A_116 : vector<16xf32>
        %add3A_138 = arith.addf %add3A_136, %mul3A_137 : vector<16xf32>
        %mul3A_139 = arith.mulf %get3A_39, %gather3A_117 : vector<16xf32>
        %add3A_140 = arith.addf %add3A_138, %mul3A_139 : vector<16xf32>
        %lt3A_141 = arith.cmpf olt, %add3A_140, %scan3A_105 : vector<16xf32>
        %select_n3A_142 = arith.select %lt3A_141, %add3A_140, %scan3A_105 : vector<16xi1>, vector<16xf32>
        %select_n3A_143 = arith.select %lt3A_141, %broadcast_in_dim3A_115, %scan3A_109 : vector<16xi1>, vector<16xi32>
        %mul3A_144 = arith.mulf %get3A_43, %gather3A : vector<16xf32>
        %add3A_145 = arith.addf %gather3A_118, %mul3A_144 : vector<16xf32>
        %mul3A_146 = arith.mulf %get3A_45, %gather3A_116 : vector<16xf32>
        %add3A_147 = arith.addf %add3A_145, %mul3A_146 : vector<16xf32>
        %mul3A_148 = arith.mulf %get3A_47, %gather3A_117 : vector<16xf32>
        %add3A_149 = arith.addf %add3A_147, %mul3A_148 : vector<16xf32>
        %lt3A_150 = arith.cmpf olt, %add3A_149, %scan3A_106 : vector<16xf32>
        %select_n3A_151 = arith.select %lt3A_150, %add3A_149, %scan3A_106 : vector<16xi1>, vector<16xf32>
        %select_n3A_152 = arith.select %lt3A_150, %broadcast_in_dim3A_115, %scan3A_110 : vector<16xi1>, vector<16xi32>
        %mul3A_153 = arith.constant 16 : i32
        %mul3A_154 = arith.muli %scan3A_102, %mul3A_153 : i32
        %add3A_155 = arith.constant 1 : i32
        %add3A_156 = arith.addi %mul3A_154, %add3A_155 : i32
        %broadcast_in_dim3A_157 = vector.broadcast %add3A_156 : i32 to vector<16xi32>
        %gather3A_158 = tpu.vector_load_idx %arg14[%broadcast_in_dim3A_157] : memref<4096xf32, #tpu.memory_space<vmem>>[vector<16xi32>], vector<16xf32>,
        %gather3A_159 = tpu.vector_load_idx %arg15[%broadcast_in_dim3A_157] : memref<4096xf32, #tpu.memory_space<vmem>>[vector<16xi32>], vector<16xf32>,
        %gather3A_160 = tpu.vector_load_idx %arg16[%broadcast_in_dim3A_157] : memref<4096xf32, #tpu.memory_space<vmem>>[vector<16xi32>], vector<16xf32>,
        %gather3A_161 = tpu.vector_load_idx %arg17[%broadcast_in_dim3A_157] : memref<4096xf32, #tpu.memory_space<vmem>>[vector<16xi32>], vector<16xf32>,
        %mul3A_162 = arith.mulf %get3A_19, %gather3A_158 : vector<16xf32>
        %add3A_163 = arith.addf %gather3A_161, %mul3A_162 : vector<16xf32>
        %mul3A_164 = arith.mulf %get3A_21, %gather3A_159 : vector<16xf32>
        %add3A_165 = arith.addf %add3A_163, %mul3A_164 : vector<16xf32>
        %mul3A_166 = arith.mulf %get3A_23, %gather3A_160 : vector<16xf32>
        %add3A_167 = arith.addf %add3A_165, %mul3A_166 : vector<16xf32>
        %lt3A_168 = arith.cmpf olt, %add3A_167, %select_n3A : vector<16xf32>
        %select_n3A_169 = arith.select %lt3A_168, %add3A_167, %select_n3A : vector<16xi1>, vector<16xf32>
        %select_n3A_170 = arith.select %lt3A_168, %broadcast_in_dim3A_157, %select_n3A_125 : vector<16xi1>, vector<16xi32>
        %mul3A_171 = arith.mulf %get3A_27, %gather3A_158 : vector<16xf32>
        %add3A_172 = arith.addf %gather3A_161, %mul3A_171 : vector<16xf32>
        %mul3A_173 = arith.mulf %get3A_29, %gather3A_159 : vector<16xf32>
        %add3A_174 = arith.addf %add3A_172, %mul3A_173 : vector<16xf32>
        %mul3A_175 = arith.mulf %get3A_31, %gather3A_160 : vector<16xf32>
        %add3A_176 = arith.addf %add3A_174, %mul3A_175 : vector<16xf32>
        %lt3A_177 = arith.cmpf olt, %add3A_176, %select_n3A_133 : vector<16xf32>
        %select_n3A_178 = arith.select %lt3A_177, %add3A_176, %select_n3A_133 : vector<16xi1>, vector<16xf32>
        %select_n3A_179 = arith.select %lt3A_177, %broadcast_in_dim3A_157, %select_n3A_134 : vector<16xi1>, vector<16xi32>
        %mul3A_180 = arith.mulf %get3A_35, %gather3A_158 : vector<16xf32>
        %add3A_181 = arith.addf %gather3A_161, %mul3A_180 : vector<16xf32>
        %mul3A_182 = arith.mulf %get3A_37, %gather3A_159 : vector<16xf32>
        %add3A_183 = arith.addf %add3A_181, %mul3A_182 : vector<16xf32>
        %mul3A_184 = arith.mulf %get3A_39, %gather3A_160 : vector<16xf32>
        %add3A_185 = arith.addf %add3A_183, %mul3A_184 : vector<16xf32>
        %lt3A_186 = arith.cmpf olt, %add3A_185, %select_n3A_142 : vector<16xf32>
        %select_n3A_187 = arith.select %lt3A_186, %add3A_185, %select_n3A_142 : vector<16xi1>, vector<16xf32>
        %select_n3A_188 = arith.select %lt3A_186, %broadcast_in_dim3A_157, %select_n3A_143 : vector<16xi1>, vector<16xi32>
        %mul3A_189 = arith.mulf %get3A_43, %gather3A_158 : vector<16xf32>
        %add3A_190 = arith.addf %gather3A_161, %mul3A_189 : vector<16xf32>
        %mul3A_191 = arith.mulf %get3A_45, %gather3A_159 : vector<16xf32>
        %add3A_192 = arith.addf %add3A_190, %mul3A_191 : vector<16xf32>
        %mul3A_193 = arith.mulf %get3A_47, %gather3A_160 : vector<16xf32>
        %add3A_194 = arith.addf %add3A_192, %mul3A_193 : vector<16xf32>
        %lt3A_195 = arith.cmpf olt, %add3A_194, %select_n3A_151 : vector<16xf32>
        %select_n3A_196 = arith.select %lt3A_195, %add3A_194, %select_n3A_151 : vector<16xi1>, vector<16xf32>
        %select_n3A_197 = arith.select %lt3A_195, %broadcast_in_dim3A_157, %select_n3A_152 : vector<16xi1>, vector<16xi32>
        %mul3A_198 = arith.constant 16 : i32
        %mul3A_199 = arith.muli %scan3A_102, %mul3A_198 : i32
        %add3A_200 = arith.constant 2 : i32
        %add3A_201 = arith.addi %mul3A_199, %add3A_200 : i32
        %broadcast_in_dim3A_202 = vector.broadcast %add3A_201 : i32 to vector<16xi32>
        %gather3A_203 = tpu.vector_load_idx %arg14[%broadcast_in_dim3A_202] : memref<4096xf32, #tpu.memory_space<vmem>>[vector<16xi32>], vector<16xf32>,
        %gather3A_204 = tpu.vector_load_idx %arg15[%broadcast_in_dim3A_202] : memref<4096xf32, #tpu.memory_space<vmem>>[vector<16xi32>], vector<16xf32>,
        %gather3A_205 = tpu.vector_load_idx %arg16[%broadcast_in_dim3A_202] : memref<4096xf32, #tpu.memory_space<vmem>>[vector<16xi32>], vector<16xf32>,
        %gather3A_206 = tpu.vector_load_idx %arg17[%broadcast_in_dim3A_202] : memref<4096xf32, #tpu.memory_space<vmem>>[vector<16xi32>], vector<16xf32>,
        %mul3A_207 = arith.mulf %get3A_19, %gather3A_203 : vector<16xf32>
        %add3A_208 = arith.addf %gather3A_206, %mul3A_207 : vector<16xf32>
        %mul3A_209 = arith.mulf %get3A_21, %gather3A_204 : vector<16xf32>
        %add3A_210 = arith.addf %add3A_208, %mul3A_209 : vector<16xf32>
        %mul3A_211 = arith.mulf %get3A_23, %gather3A_205 : vector<16xf32>
        %add3A_212 = arith.addf %add3A_210, %mul3A_211 : vector<16xf32>
        %lt3A_213 = arith.cmpf olt, %add3A_212, %select_n3A_169 : vector<16xf32>
        %select_n3A_214 = arith.select %lt3A_213, %add3A_212, %select_n3A_169 : vector<16xi1>, vector<16xf32>
        %select_n3A_215 = arith.select %lt3A_213, %broadcast_in_dim3A_202, %select_n3A_170 : vector<16xi1>, vector<16xi32>
        %mul3A_216 = arith.mulf %get3A_27, %gather3A_203 : vector<16xf32>
        %add3A_217 = arith.addf %gather3A_206, %mul3A_216 : vector<16xf32>
        %mul3A_218 = arith.mulf %get3A_29, %gather3A_204 : vector<16xf32>
        %add3A_219 = arith.addf %add3A_217, %mul3A_218 : vector<16xf32>
        %mul3A_220 = arith.mulf %get3A_31, %gather3A_205 : vector<16xf32>
        %add3A_221 = arith.addf %add3A_219, %mul3A_220 : vector<16xf32>
        %lt3A_222 = arith.cmpf olt, %add3A_221, %select_n3A_178 : vector<16xf32>
        %select_n3A_223 = arith.select %lt3A_222, %add3A_221, %select_n3A_178 : vector<16xi1>, vector<16xf32>
        %select_n3A_224 = arith.select %lt3A_222, %broadcast_in_dim3A_202, %select_n3A_179 : vector<16xi1>, vector<16xi32>
        %mul3A_225 = arith.mulf %get3A_35, %gather3A_203 : vector<16xf32>
        %add3A_226 = arith.addf %gather3A_206, %mul3A_225 : vector<16xf32>
        %mul3A_227 = arith.mulf %get3A_37, %gather3A_204 : vector<16xf32>
        %add3A_228 = arith.addf %add3A_226, %mul3A_227 : vector<16xf32>
        %mul3A_229 = arith.mulf %get3A_39, %gather3A_205 : vector<16xf32>
        %add3A_230 = arith.addf %add3A_228, %mul3A_229 : vector<16xf32>
        %lt3A_231 = arith.cmpf olt, %add3A_230, %select_n3A_187 : vector<16xf32>
        %select_n3A_232 = arith.select %lt3A_231, %add3A_230, %select_n3A_187 : vector<16xi1>, vector<16xf32>
        %select_n3A_233 = arith.select %lt3A_231, %broadcast_in_dim3A_202, %select_n3A_188 : vector<16xi1>, vector<16xi32>
        %mul3A_234 = arith.mulf %get3A_43, %gather3A_203 : vector<16xf32>
        %add3A_235 = arith.addf %gather3A_206, %mul3A_234 : vector<16xf32>
        %mul3A_236 = arith.mulf %get3A_45, %gather3A_204 : vector<16xf32>
        %add3A_237 = arith.addf %add3A_235, %mul3A_236 : vector<16xf32>
        %mul3A_238 = arith.mulf %get3A_47, %gather3A_205 : vector<16xf32>
        %add3A_239 = arith.addf %add3A_237, %mul3A_238 : vector<16xf32>
        %lt3A_240 = arith.cmpf olt, %add3A_239, %select_n3A_196 : vector<16xf32>
        %select_n3A_241 = arith.select %lt3A_240, %add3A_239, %select_n3A_196 : vector<16xi1>, vector<16xf32>
        %select_n3A_242 = arith.select %lt3A_240, %broadcast_in_dim3A_202, %select_n3A_197 : vector<16xi1>, vector<16xi32>
        %mul3A_243 = arith.constant 16 : i32
        %mul3A_244 = arith.muli %scan3A_102, %mul3A_243 : i32
        %add3A_245 = arith.constant 3 : i32
        %add3A_246 = arith.addi %mul3A_244, %add3A_245 : i32
        %broadcast_in_dim3A_247 = vector.broadcast %add3A_246 : i32 to vector<16xi32>
        %gather3A_248 = tpu.vector_load_idx %arg14[%broadcast_in_dim3A_247] : memref<4096xf32, #tpu.memory_space<vmem>>[vector<16xi32>], vector<16xf32>,
        %gather3A_249 = tpu.vector_load_idx %arg15[%broadcast_in_dim3A_247] : memref<4096xf32, #tpu.memory_space<vmem>>[vector<16xi32>], vector<16xf32>,
        %gather3A_250 = tpu.vector_load_idx %arg16[%broadcast_in_dim3A_247] : memref<4096xf32, #tpu.memory_space<vmem>>[vector<16xi32>], vector<16xf32>,
        %gather3A_251 = tpu.vector_load_idx %arg17[%broadcast_in_dim3A_247] : memref<4096xf32, #tpu.memory_space<vmem>>[vector<16xi32>], vector<16xf32>,
        %mul3A_252 = arith.mulf %get3A_19, %gather3A_248 : vector<16xf32>
        %add3A_253 = arith.addf %gather3A_251, %mul3A_252 : vector<16xf32>
        %mul3A_254 = arith.mulf %get3A_21, %gather3A_249 : vector<16xf32>
        %add3A_255 = arith.addf %add3A_253, %mul3A_254 : vector<16xf32>
        %mul3A_256 = arith.mulf %get3A_23, %gather3A_250 : vector<16xf32>
        %add3A_257 = arith.addf %add3A_255, %mul3A_256 : vector<16xf32>
        %lt3A_258 = arith.cmpf olt, %add3A_257, %select_n3A_214 : vector<16xf32>
        %select_n3A_259 = arith.select %lt3A_258, %add3A_257, %select_n3A_214 : vector<16xi1>, vector<16xf32>
        %select_n3A_260 = arith.select %lt3A_258, %broadcast_in_dim3A_247, %select_n3A_215 : vector<16xi1>, vector<16xi32>
        %mul3A_261 = arith.mulf %get3A_27, %gather3A_248 : vector<16xf32>
        %add3A_262 = arith.addf %gather3A_251, %mul3A_261 : vector<16xf32>
        %mul3A_263 = arith.mulf %get3A_29, %gather3A_249 : vector<16xf32>
        %add3A_264 = arith.addf %add3A_262, %mul3A_263 : vector<16xf32>
        %mul3A_265 = arith.mulf %get3A_31, %gather3A_250 : vector<16xf32>
        %add3A_266 = arith.addf %add3A_264, %mul3A_265 : vector<16xf32>
        %lt3A_267 = arith.cmpf olt, %add3A_266, %select_n3A_223 : vector<16xf32>
        %select_n3A_268 = arith.select %lt3A_267, %add3A_266, %select_n3A_223 : vector<16xi1>, vector<16xf32>
        %select_n3A_269 = arith.select %lt3A_267, %broadcast_in_dim3A_247, %select_n3A_224 : vector<16xi1>, vector<16xi32>
        %mul3A_270 = arith.mulf %get3A_35, %gather3A_248 : vector<16xf32>
        %add3A_271 = arith.addf %gather3A_251, %mul3A_270 : vector<16xf32>
        %mul3A_272 = arith.mulf %get3A_37, %gather3A_249 : vector<16xf32>
        %add3A_273 = arith.addf %add3A_271, %mul3A_272 : vector<16xf32>
        %mul3A_274 = arith.mulf %get3A_39, %gather3A_250 : vector<16xf32>
        %add3A_275 = arith.addf %add3A_273, %mul3A_274 : vector<16xf32>
        %lt3A_276 = arith.cmpf olt, %add3A_275, %select_n3A_232 : vector<16xf32>
        %select_n3A_277 = arith.select %lt3A_276, %add3A_275, %select_n3A_232 : vector<16xi1>, vector<16xf32>
        %select_n3A_278 = arith.select %lt3A_276, %broadcast_in_dim3A_247, %select_n3A_233 : vector<16xi1>, vector<16xi32>
        %mul3A_279 = arith.mulf %get3A_43, %gather3A_248 : vector<16xf32>
        %add3A_280 = arith.addf %gather3A_251, %mul3A_279 : vector<16xf32>
        %mul3A_281 = arith.mulf %get3A_45, %gather3A_249 : vector<16xf32>
        %add3A_282 = arith.addf %add3A_280, %mul3A_281 : vector<16xf32>
        %mul3A_283 = arith.mulf %get3A_47, %gather3A_250 : vector<16xf32>
        %add3A_284 = arith.addf %add3A_282, %mul3A_283 : vector<16xf32>
        %lt3A_285 = arith.cmpf olt, %add3A_284, %select_n3A_241 : vector<16xf32>
        %select_n3A_286 = arith.select %lt3A_285, %add3A_284, %select_n3A_241 : vector<16xi1>, vector<16xf32>
        %select_n3A_287 = arith.select %lt3A_285, %broadcast_in_dim3A_247, %select_n3A_242 : vector<16xi1>, vector<16xi32>
        %mul3A_288 = arith.constant 16 : i32
        %mul3A_289 = arith.muli %scan3A_102, %mul3A_288 : i32
        %add3A_290 = arith.constant 4 : i32
        %add3A_291 = arith.addi %mul3A_289, %add3A_290 : i32
        %broadcast_in_dim3A_292 = vector.broadcast %add3A_291 : i32 to vector<16xi32>
        %gather3A_293 = tpu.vector_load_idx %arg14[%broadcast_in_dim3A_292] : memref<4096xf32, #tpu.memory_space<vmem>>[vector<16xi32>], vector<16xf32>,
        %gather3A_294 = tpu.vector_load_idx %arg15[%broadcast_in_dim3A_292] : memref<4096xf32, #tpu.memory_space<vmem>>[vector<16xi32>], vector<16xf32>,
        %gather3A_295 = tpu.vector_load_idx %arg16[%broadcast_in_dim3A_292] : memref<4096xf32, #tpu.memory_space<vmem>>[vector<16xi32>], vector<16xf32>,
        %gather3A_296 = tpu.vector_load_idx %arg17[%broadcast_in_dim3A_292] : memref<4096xf32, #tpu.memory_space<vmem>>[vector<16xi32>], vector<16xf32>,
        %mul3A_297 = arith.mulf %get3A_19, %gather3A_293 : vector<16xf32>
        %add3A_298 = arith.addf %gather3A_296, %mul3A_297 : vector<16xf32>
        %mul3A_299 = arith.mulf %get3A_21, %gather3A_294 : vector<16xf32>
        %add3A_300 = arith.addf %add3A_298, %mul3A_299 : vector<16xf32>
        %mul3A_301 = arith.mulf %get3A_23, %gather3A_295 : vector<16xf32>
        %add3A_302 = arith.addf %add3A_300, %mul3A_301 : vector<16xf32>
        %lt3A_303 = arith.cmpf olt, %add3A_302, %select_n3A_259 : vector<16xf32>
        %select_n3A_304 = arith.select %lt3A_303, %add3A_302, %select_n3A_259 : vector<16xi1>, vector<16xf32>
        %select_n3A_305 = arith.select %lt3A_303, %broadcast_in_dim3A_292, %select_n3A_260 : vector<16xi1>, vector<16xi32>
        %mul3A_306 = arith.mulf %get3A_27, %gather3A_293 : vector<16xf32>
        %add3A_307 = arith.addf %gather3A_296, %mul3A_306 : vector<16xf32>
        %mul3A_308 = arith.mulf %get3A_29, %gather3A_294 : vector<16xf32>
        %add3A_309 = arith.addf %add3A_307, %mul3A_308 : vector<16xf32>
        %mul3A_310 = arith.mulf %get3A_31, %gather3A_295 : vector<16xf32>
        %add3A_311 = arith.addf %add3A_309, %mul3A_310 : vector<16xf32>
        %lt3A_312 = arith.cmpf olt, %add3A_311, %select_n3A_268 : vector<16xf32>
        %select_n3A_313 = arith.select %lt3A_312, %add3A_311, %select_n3A_268 : vector<16xi1>, vector<16xf32>
        %select_n3A_314 = arith.select %lt3A_312, %broadcast_in_dim3A_292, %select_n3A_269 : vector<16xi1>, vector<16xi32>
        %mul3A_315 = arith.mulf %get3A_35, %gather3A_293 : vector<16xf32>
        %add3A_316 = arith.addf %gather3A_296, %mul3A_315 : vector<16xf32>
        %mul3A_317 = arith.mulf %get3A_37, %gather3A_294 : vector<16xf32>
        %add3A_318 = arith.addf %add3A_316, %mul3A_317 : vector<16xf32>
        %mul3A_319 = arith.mulf %get3A_39, %gather3A_295 : vector<16xf32>
        %add3A_320 = arith.addf %add3A_318, %mul3A_319 : vector<16xf32>
        %lt3A_321 = arith.cmpf olt, %add3A_320, %select_n3A_277 : vector<16xf32>
        %select_n3A_322 = arith.select %lt3A_321, %add3A_320, %select_n3A_277 : vector<16xi1>, vector<16xf32>
        %select_n3A_323 = arith.select %lt3A_321, %broadcast_in_dim3A_292, %select_n3A_278 : vector<16xi1>, vector<16xi32>
        %mul3A_324 = arith.mulf %get3A_43, %gather3A_293 : vector<16xf32>
        %add3A_325 = arith.addf %gather3A_296, %mul3A_324 : vector<16xf32>
        %mul3A_326 = arith.mulf %get3A_45, %gather3A_294 : vector<16xf32>
        %add3A_327 = arith.addf %add3A_325, %mul3A_326 : vector<16xf32>
        %mul3A_328 = arith.mulf %get3A_47, %gather3A_295 : vector<16xf32>
        %add3A_329 = arith.addf %add3A_327, %mul3A_328 : vector<16xf32>
        %lt3A_330 = arith.cmpf olt, %add3A_329, %select_n3A_286 : vector<16xf32>
        %select_n3A_331 = arith.select %lt3A_330, %add3A_329, %select_n3A_286 : vector<16xi1>, vector<16xf32>
        %select_n3A_332 = arith.select %lt3A_330, %broadcast_in_dim3A_292, %select_n3A_287 : vector<16xi1>, vector<16xi32>
        %mul3A_333 = arith.constant 16 : i32
        %mul3A_334 = arith.muli %scan3A_102, %mul3A_333 : i32
        %add3A_335 = arith.constant 5 : i32
        %add3A_336 = arith.addi %mul3A_334, %add3A_335 : i32
        %broadcast_in_dim3A_337 = vector.broadcast %add3A_336 : i32 to vector<16xi32>
        %gather3A_338 = tpu.vector_load_idx %arg14[%broadcast_in_dim3A_337] : memref<4096xf32, #tpu.memory_space<vmem>>[vector<16xi32>], vector<16xf32>,
        %gather3A_339 = tpu.vector_load_idx %arg15[%broadcast_in_dim3A_337] : memref<4096xf32, #tpu.memory_space<vmem>>[vector<16xi32>], vector<16xf32>,
        %gather3A_340 = tpu.vector_load_idx %arg16[%broadcast_in_dim3A_337] : memref<4096xf32, #tpu.memory_space<vmem>>[vector<16xi32>], vector<16xf32>,
        %gather3A_341 = tpu.vector_load_idx %arg17[%broadcast_in_dim3A_337] : memref<4096xf32, #tpu.memory_space<vmem>>[vector<16xi32>], vector<16xf32>,
        %mul3A_342 = arith.mulf %get3A_19, %gather3A_338 : vector<16xf32>
        %add3A_343 = arith.addf %gather3A_341, %mul3A_342 : vector<16xf32>
        %mul3A_344 = arith.mulf %get3A_21, %gather3A_339 : vector<16xf32>
        %add3A_345 = arith.addf %add3A_343, %mul3A_344 : vector<16xf32>
        %mul3A_346 = arith.mulf %get3A_23, %gather3A_340 : vector<16xf32>
        %add3A_347 = arith.addf %add3A_345, %mul3A_346 : vector<16xf32>
        %lt3A_348 = arith.cmpf olt, %add3A_347, %select_n3A_304 : vector<16xf32>
        %select_n3A_349 = arith.select %lt3A_348, %add3A_347, %select_n3A_304 : vector<16xi1>, vector<16xf32>
        %select_n3A_350 = arith.select %lt3A_348, %broadcast_in_dim3A_337, %select_n3A_305 : vector<16xi1>, vector<16xi32>
        %mul3A_351 = arith.mulf %get3A_27, %gather3A_338 : vector<16xf32>
        %add3A_352 = arith.addf %gather3A_341, %mul3A_351 : vector<16xf32>
        %mul3A_353 = arith.mulf %get3A_29, %gather3A_339 : vector<16xf32>
        %add3A_354 = arith.addf %add3A_352, %mul3A_353 : vector<16xf32>
        %mul3A_355 = arith.mulf %get3A_31, %gather3A_340 : vector<16xf32>
        %add3A_356 = arith.addf %add3A_354, %mul3A_355 : vector<16xf32>
        %lt3A_357 = arith.cmpf olt, %add3A_356, %select_n3A_313 : vector<16xf32>
        %select_n3A_358 = arith.select %lt3A_357, %add3A_356, %select_n3A_313 : vector<16xi1>, vector<16xf32>
        %select_n3A_359 = arith.select %lt3A_357, %broadcast_in_dim3A_337, %select_n3A_314 : vector<16xi1>, vector<16xi32>
        %mul3A_360 = arith.mulf %get3A_35, %gather3A_338 : vector<16xf32>
        %add3A_361 = arith.addf %gather3A_341, %mul3A_360 : vector<16xf32>
        %mul3A_362 = arith.mulf %get3A_37, %gather3A_339 : vector<16xf32>
        %add3A_363 = arith.addf %add3A_361, %mul3A_362 : vector<16xf32>
        %mul3A_364 = arith.mulf %get3A_39, %gather3A_340 : vector<16xf32>
        %add3A_365 = arith.addf %add3A_363, %mul3A_364 : vector<16xf32>
        %lt3A_366 = arith.cmpf olt, %add3A_365, %select_n3A_322 : vector<16xf32>
        %select_n3A_367 = arith.select %lt3A_366, %add3A_365, %select_n3A_322 : vector<16xi1>, vector<16xf32>
        %select_n3A_368 = arith.select %lt3A_366, %broadcast_in_dim3A_337, %select_n3A_323 : vector<16xi1>, vector<16xi32>
        %mul3A_369 = arith.mulf %get3A_43, %gather3A_338 : vector<16xf32>
        %add3A_370 = arith.addf %gather3A_341, %mul3A_369 : vector<16xf32>
        %mul3A_371 = arith.mulf %get3A_45, %gather3A_339 : vector<16xf32>
        %add3A_372 = arith.addf %add3A_370, %mul3A_371 : vector<16xf32>
        %mul3A_373 = arith.mulf %get3A_47, %gather3A_340 : vector<16xf32>
        %add3A_374 = arith.addf %add3A_372, %mul3A_373 : vector<16xf32>
        %lt3A_375 = arith.cmpf olt, %add3A_374, %select_n3A_331 : vector<16xf32>
        %select_n3A_376 = arith.select %lt3A_375, %add3A_374, %select_n3A_331 : vector<16xi1>, vector<16xf32>
        %select_n3A_377 = arith.select %lt3A_375, %broadcast_in_dim3A_337, %select_n3A_332 : vector<16xi1>, vector<16xi32>
        %mul3A_378 = arith.constant 16 : i32
        %mul3A_379 = arith.muli %scan3A_102, %mul3A_378 : i32
        %add3A_380 = arith.constant 6 : i32
        %add3A_381 = arith.addi %mul3A_379, %add3A_380 : i32
        %broadcast_in_dim3A_382 = vector.broadcast %add3A_381 : i32 to vector<16xi32>
        %gather3A_383 = tpu.vector_load_idx %arg14[%broadcast_in_dim3A_382] : memref<4096xf32, #tpu.memory_space<vmem>>[vector<16xi32>], vector<16xf32>,
        %gather3A_384 = tpu.vector_load_idx %arg15[%broadcast_in_dim3A_382] : memref<4096xf32, #tpu.memory_space<vmem>>[vector<16xi32>], vector<16xf32>,
        %gather3A_385 = tpu.vector_load_idx %arg16[%broadcast_in_dim3A_382] : memref<4096xf32, #tpu.memory_space<vmem>>[vector<16xi32>], vector<16xf32>,
        %gather3A_386 = tpu.vector_load_idx %arg17[%broadcast_in_dim3A_382] : memref<4096xf32, #tpu.memory_space<vmem>>[vector<16xi32>], vector<16xf32>,
        %mul3A_387 = arith.mulf %get3A_19, %gather3A_383 : vector<16xf32>
        %add3A_388 = arith.addf %gather3A_386, %mul3A_387 : vector<16xf32>
        %mul3A_389 = arith.mulf %get3A_21, %gather3A_384 : vector<16xf32>
        %add3A_390 = arith.addf %add3A_388, %mul3A_389 : vector<16xf32>
        %mul3A_391 = arith.mulf %get3A_23, %gather3A_385 : vector<16xf32>
        %add3A_392 = arith.addf %add3A_390, %mul3A_391 : vector<16xf32>
        %lt3A_393 = arith.cmpf olt, %add3A_392, %select_n3A_349 : vector<16xf32>
        %select_n3A_394 = arith.select %lt3A_393, %add3A_392, %select_n3A_349 : vector<16xi1>, vector<16xf32>
        %select_n3A_395 = arith.select %lt3A_393, %broadcast_in_dim3A_382, %select_n3A_350 : vector<16xi1>, vector<16xi32>
        %mul3A_396 = arith.mulf %get3A_27, %gather3A_383 : vector<16xf32>
        %add3A_397 = arith.addf %gather3A_386, %mul3A_396 : vector<16xf32>
        %mul3A_398 = arith.mulf %get3A_29, %gather3A_384 : vector<16xf32>
        %add3A_399 = arith.addf %add3A_397, %mul3A_398 : vector<16xf32>
        %mul3A_400 = arith.mulf %get3A_31, %gather3A_385 : vector<16xf32>
        %add3A_401 = arith.addf %add3A_399, %mul3A_400 : vector<16xf32>
        %lt3A_402 = arith.cmpf olt, %add3A_401, %select_n3A_358 : vector<16xf32>
        %select_n3A_403 = arith.select %lt3A_402, %add3A_401, %select_n3A_358 : vector<16xi1>, vector<16xf32>
        %select_n3A_404 = arith.select %lt3A_402, %broadcast_in_dim3A_382, %select_n3A_359 : vector<16xi1>, vector<16xi32>
        %mul3A_405 = arith.mulf %get3A_35, %gather3A_383 : vector<16xf32>
        %add3A_406 = arith.addf %gather3A_386, %mul3A_405 : vector<16xf32>
        %mul3A_407 = arith.mulf %get3A_37, %gather3A_384 : vector<16xf32>
        %add3A_408 = arith.addf %add3A_406, %mul3A_407 : vector<16xf32>
        %mul3A_409 = arith.mulf %get3A_39, %gather3A_385 : vector<16xf32>
        %add3A_410 = arith.addf %add3A_408, %mul3A_409 : vector<16xf32>
        %lt3A_411 = arith.cmpf olt, %add3A_410, %select_n3A_367 : vector<16xf32>
        %select_n3A_412 = arith.select %lt3A_411, %add3A_410, %select_n3A_367 : vector<16xi1>, vector<16xf32>
        %select_n3A_413 = arith.select %lt3A_411, %broadcast_in_dim3A_382, %select_n3A_368 : vector<16xi1>, vector<16xi32>
        %mul3A_414 = arith.mulf %get3A_43, %gather3A_383 : vector<16xf32>
        %add3A_415 = arith.addf %gather3A_386, %mul3A_414 : vector<16xf32>
        %mul3A_416 = arith.mulf %get3A_45, %gather3A_384 : vector<16xf32>
        %add3A_417 = arith.addf %add3A_415, %mul3A_416 : vector<16xf32>
        %mul3A_418 = arith.mulf %get3A_47, %gather3A_385 : vector<16xf32>
        %add3A_419 = arith.addf %add3A_417, %mul3A_418 : vector<16xf32>
        %lt3A_420 = arith.cmpf olt, %add3A_419, %select_n3A_376 : vector<16xf32>
        %select_n3A_421 = arith.select %lt3A_420, %add3A_419, %select_n3A_376 : vector<16xi1>, vector<16xf32>
        %select_n3A_422 = arith.select %lt3A_420, %broadcast_in_dim3A_382, %select_n3A_377 : vector<16xi1>, vector<16xi32>
        %mul3A_423 = arith.constant 16 : i32
        %mul3A_424 = arith.muli %scan3A_102, %mul3A_423 : i32
        %add3A_425 = arith.constant 7 : i32
        %add3A_426 = arith.addi %mul3A_424, %add3A_425 : i32
        %broadcast_in_dim3A_427 = vector.broadcast %add3A_426 : i32 to vector<16xi32>
        %gather3A_428 = tpu.vector_load_idx %arg14[%broadcast_in_dim3A_427] : memref<4096xf32, #tpu.memory_space<vmem>>[vector<16xi32>], vector<16xf32>,
        %gather3A_429 = tpu.vector_load_idx %arg15[%broadcast_in_dim3A_427] : memref<4096xf32, #tpu.memory_space<vmem>>[vector<16xi32>], vector<16xf32>,
        %gather3A_430 = tpu.vector_load_idx %arg16[%broadcast_in_dim3A_427] : memref<4096xf32, #tpu.memory_space<vmem>>[vector<16xi32>], vector<16xf32>,
        %gather3A_431 = tpu.vector_load_idx %arg17[%broadcast_in_dim3A_427] : memref<4096xf32, #tpu.memory_space<vmem>>[vector<16xi32>], vector<16xf32>,
        %mul3A_432 = arith.mulf %get3A_19, %gather3A_428 : vector<16xf32>
        %add3A_433 = arith.addf %gather3A_431, %mul3A_432 : vector<16xf32>
        %mul3A_434 = arith.mulf %get3A_21, %gather3A_429 : vector<16xf32>
        %add3A_435 = arith.addf %add3A_433, %mul3A_434 : vector<16xf32>
        %mul3A_436 = arith.mulf %get3A_23, %gather3A_430 : vector<16xf32>
        %add3A_437 = arith.addf %add3A_435, %mul3A_436 : vector<16xf32>
        %lt3A_438 = arith.cmpf olt, %add3A_437, %select_n3A_394 : vector<16xf32>
        %select_n3A_439 = arith.select %lt3A_438, %add3A_437, %select_n3A_394 : vector<16xi1>, vector<16xf32>
        %select_n3A_440 = arith.select %lt3A_438, %broadcast_in_dim3A_427, %select_n3A_395 : vector<16xi1>, vector<16xi32>
        %mul3A_441 = arith.mulf %get3A_27, %gather3A_428 : vector<16xf32>
        %add3A_442 = arith.addf %gather3A_431, %mul3A_441 : vector<16xf32>
        %mul3A_443 = arith.mulf %get3A_29, %gather3A_429 : vector<16xf32>
        %add3A_444 = arith.addf %add3A_442, %mul3A_443 : vector<16xf32>
        %mul3A_445 = arith.mulf %get3A_31, %gather3A_430 : vector<16xf32>
        %add3A_446 = arith.addf %add3A_444, %mul3A_445 : vector<16xf32>
        %lt3A_447 = arith.cmpf olt, %add3A_446, %select_n3A_403 : vector<16xf32>
        %select_n3A_448 = arith.select %lt3A_447, %add3A_446, %select_n3A_403 : vector<16xi1>, vector<16xf32>
        %select_n3A_449 = arith.select %lt3A_447, %broadcast_in_dim3A_427, %select_n3A_404 : vector<16xi1>, vector<16xi32>
        %mul3A_450 = arith.mulf %get3A_35, %gather3A_428 : vector<16xf32>
        %add3A_451 = arith.addf %gather3A_431, %mul3A_450 : vector<16xf32>
        %mul3A_452 = arith.mulf %get3A_37, %gather3A_429 : vector<16xf32>
        %add3A_453 = arith.addf %add3A_451, %mul3A_452 : vector<16xf32>
        %mul3A_454 = arith.mulf %get3A_39, %gather3A_430 : vector<16xf32>
        %add3A_455 = arith.addf %add3A_453, %mul3A_454 : vector<16xf32>
        %lt3A_456 = arith.cmpf olt, %add3A_455, %select_n3A_412 : vector<16xf32>
        %select_n3A_457 = arith.select %lt3A_456, %add3A_455, %select_n3A_412 : vector<16xi1>, vector<16xf32>
        %select_n3A_458 = arith.select %lt3A_456, %broadcast_in_dim3A_427, %select_n3A_413 : vector<16xi1>, vector<16xi32>
        %mul3A_459 = arith.mulf %get3A_43, %gather3A_428 : vector<16xf32>
        %add3A_460 = arith.addf %gather3A_431, %mul3A_459 : vector<16xf32>
        %mul3A_461 = arith.mulf %get3A_45, %gather3A_429 : vector<16xf32>
        %add3A_462 = arith.addf %add3A_460, %mul3A_461 : vector<16xf32>
        %mul3A_463 = arith.mulf %get3A_47, %gather3A_430 : vector<16xf32>
        %add3A_464 = arith.addf %add3A_462, %mul3A_463 : vector<16xf32>
        %lt3A_465 = arith.cmpf olt, %add3A_464, %select_n3A_421 : vector<16xf32>
        %select_n3A_466 = arith.select %lt3A_465, %add3A_464, %select_n3A_421 : vector<16xi1>, vector<16xf32>
        %select_n3A_467 = arith.select %lt3A_465, %broadcast_in_dim3A_427, %select_n3A_422 : vector<16xi1>, vector<16xi32>
        %mul3A_468 = arith.constant 16 : i32
        %mul3A_469 = arith.muli %scan3A_102, %mul3A_468 : i32
        %add3A_470 = arith.constant 8 : i32
        %add3A_471 = arith.addi %mul3A_469, %add3A_470 : i32
        %broadcast_in_dim3A_472 = vector.broadcast %add3A_471 : i32 to vector<16xi32>
        %gather3A_473 = tpu.vector_load_idx %arg14[%broadcast_in_dim3A_472] : memref<4096xf32, #tpu.memory_space<vmem>>[vector<16xi32>], vector<16xf32>,
        %gather3A_474 = tpu.vector_load_idx %arg15[%broadcast_in_dim3A_472] : memref<4096xf32, #tpu.memory_space<vmem>>[vector<16xi32>], vector<16xf32>,
        %gather3A_475 = tpu.vector_load_idx %arg16[%broadcast_in_dim3A_472] : memref<4096xf32, #tpu.memory_space<vmem>>[vector<16xi32>], vector<16xf32>,
        %gather3A_476 = tpu.vector_load_idx %arg17[%broadcast_in_dim3A_472] : memref<4096xf32, #tpu.memory_space<vmem>>[vector<16xi32>], vector<16xf32>,
        %mul3A_477 = arith.mulf %get3A_19, %gather3A_473 : vector<16xf32>
        %add3A_478 = arith.addf %gather3A_476, %mul3A_477 : vector<16xf32>
        %mul3A_479 = arith.mulf %get3A_21, %gather3A_474 : vector<16xf32>
        %add3A_480 = arith.addf %add3A_478, %mul3A_479 : vector<16xf32>
        %mul3A_481 = arith.mulf %get3A_23, %gather3A_475 : vector<16xf32>
        %add3A_482 = arith.addf %add3A_480, %mul3A_481 : vector<16xf32>
        %lt3A_483 = arith.cmpf olt, %add3A_482, %select_n3A_439 : vector<16xf32>
        %select_n3A_484 = arith.select %lt3A_483, %add3A_482, %select_n3A_439 : vector<16xi1>, vector<16xf32>
        %select_n3A_485 = arith.select %lt3A_483, %broadcast_in_dim3A_472, %select_n3A_440 : vector<16xi1>, vector<16xi32>
        %mul3A_486 = arith.mulf %get3A_27, %gather3A_473 : vector<16xf32>
        %add3A_487 = arith.addf %gather3A_476, %mul3A_486 : vector<16xf32>
        %mul3A_488 = arith.mulf %get3A_29, %gather3A_474 : vector<16xf32>
        %add3A_489 = arith.addf %add3A_487, %mul3A_488 : vector<16xf32>
        %mul3A_490 = arith.mulf %get3A_31, %gather3A_475 : vector<16xf32>
        %add3A_491 = arith.addf %add3A_489, %mul3A_490 : vector<16xf32>
        %lt3A_492 = arith.cmpf olt, %add3A_491, %select_n3A_448 : vector<16xf32>
        %select_n3A_493 = arith.select %lt3A_492, %add3A_491, %select_n3A_448 : vector<16xi1>, vector<16xf32>
        %select_n3A_494 = arith.select %lt3A_492, %broadcast_in_dim3A_472, %select_n3A_449 : vector<16xi1>, vector<16xi32>
        %mul3A_495 = arith.mulf %get3A_35, %gather3A_473 : vector<16xf32>
        %add3A_496 = arith.addf %gather3A_476, %mul3A_495 : vector<16xf32>
        %mul3A_497 = arith.mulf %get3A_37, %gather3A_474 : vector<16xf32>
        %add3A_498 = arith.addf %add3A_496, %mul3A_497 : vector<16xf32>
        %mul3A_499 = arith.mulf %get3A_39, %gather3A_475 : vector<16xf32>
        %add3A_500 = arith.addf %add3A_498, %mul3A_499 : vector<16xf32>
        %lt3A_501 = arith.cmpf olt, %add3A_500, %select_n3A_457 : vector<16xf32>
        %select_n3A_502 = arith.select %lt3A_501, %add3A_500, %select_n3A_457 : vector<16xi1>, vector<16xf32>
        %select_n3A_503 = arith.select %lt3A_501, %broadcast_in_dim3A_472, %select_n3A_458 : vector<16xi1>, vector<16xi32>
        %mul3A_504 = arith.mulf %get3A_43, %gather3A_473 : vector<16xf32>
        %add3A_505 = arith.addf %gather3A_476, %mul3A_504 : vector<16xf32>
        %mul3A_506 = arith.mulf %get3A_45, %gather3A_474 : vector<16xf32>
        %add3A_507 = arith.addf %add3A_505, %mul3A_506 : vector<16xf32>
        %mul3A_508 = arith.mulf %get3A_47, %gather3A_475 : vector<16xf32>
        %add3A_509 = arith.addf %add3A_507, %mul3A_508 : vector<16xf32>
        %lt3A_510 = arith.cmpf olt, %add3A_509, %select_n3A_466 : vector<16xf32>
        %select_n3A_511 = arith.select %lt3A_510, %add3A_509, %select_n3A_466 : vector<16xi1>, vector<16xf32>
        %select_n3A_512 = arith.select %lt3A_510, %broadcast_in_dim3A_472, %select_n3A_467 : vector<16xi1>, vector<16xi32>
        %mul3A_513 = arith.constant 16 : i32
        %mul3A_514 = arith.muli %scan3A_102, %mul3A_513 : i32
        %add3A_515 = arith.constant 9 : i32
        %add3A_516 = arith.addi %mul3A_514, %add3A_515 : i32
        %broadcast_in_dim3A_517 = vector.broadcast %add3A_516 : i32 to vector<16xi32>
        %gather3A_518 = tpu.vector_load_idx %arg14[%broadcast_in_dim3A_517] : memref<4096xf32, #tpu.memory_space<vmem>>[vector<16xi32>], vector<16xf32>,
        %gather3A_519 = tpu.vector_load_idx %arg15[%broadcast_in_dim3A_517] : memref<4096xf32, #tpu.memory_space<vmem>>[vector<16xi32>], vector<16xf32>,
        %gather3A_520 = tpu.vector_load_idx %arg16[%broadcast_in_dim3A_517] : memref<4096xf32, #tpu.memory_space<vmem>>[vector<16xi32>], vector<16xf32>,
        %gather3A_521 = tpu.vector_load_idx %arg17[%broadcast_in_dim3A_517] : memref<4096xf32, #tpu.memory_space<vmem>>[vector<16xi32>], vector<16xf32>,
        %mul3A_522 = arith.mulf %get3A_19, %gather3A_518 : vector<16xf32>
        %add3A_523 = arith.addf %gather3A_521, %mul3A_522 : vector<16xf32>
        %mul3A_524 = arith.mulf %get3A_21, %gather3A_519 : vector<16xf32>
        %add3A_525 = arith.addf %add3A_523, %mul3A_524 : vector<16xf32>
        %mul3A_526 = arith.mulf %get3A_23, %gather3A_520 : vector<16xf32>
        %add3A_527 = arith.addf %add3A_525, %mul3A_526 : vector<16xf32>
        %lt3A_528 = arith.cmpf olt, %add3A_527, %select_n3A_484 : vector<16xf32>
        %select_n3A_529 = arith.select %lt3A_528, %add3A_527, %select_n3A_484 : vector<16xi1>, vector<16xf32>
        %select_n3A_530 = arith.select %lt3A_528, %broadcast_in_dim3A_517, %select_n3A_485 : vector<16xi1>, vector<16xi32>
        %mul3A_531 = arith.mulf %get3A_27, %gather3A_518 : vector<16xf32>
        %add3A_532 = arith.addf %gather3A_521, %mul3A_531 : vector<16xf32>
        %mul3A_533 = arith.mulf %get3A_29, %gather3A_519 : vector<16xf32>
        %add3A_534 = arith.addf %add3A_532, %mul3A_533 : vector<16xf32>
        %mul3A_535 = arith.mulf %get3A_31, %gather3A_520 : vector<16xf32>
        %add3A_536 = arith.addf %add3A_534, %mul3A_535 : vector<16xf32>
        %lt3A_537 = arith.cmpf olt, %add3A_536, %select_n3A_493 : vector<16xf32>
        %select_n3A_538 = arith.select %lt3A_537, %add3A_536, %select_n3A_493 : vector<16xi1>, vector<16xf32>
        %select_n3A_539 = arith.select %lt3A_537, %broadcast_in_dim3A_517, %select_n3A_494 : vector<16xi1>, vector<16xi32>
        %mul3A_540 = arith.mulf %get3A_35, %gather3A_518 : vector<16xf32>
        %add3A_541 = arith.addf %gather3A_521, %mul3A_540 : vector<16xf32>
        %mul3A_542 = arith.mulf %get3A_37, %gather3A_519 : vector<16xf32>
        %add3A_543 = arith.addf %add3A_541, %mul3A_542 : vector<16xf32>
        %mul3A_544 = arith.mulf %get3A_39, %gather3A_520 : vector<16xf32>
        %add3A_545 = arith.addf %add3A_543, %mul3A_544 : vector<16xf32>
        %lt3A_546 = arith.cmpf olt, %add3A_545, %select_n3A_502 : vector<16xf32>
        %select_n3A_547 = arith.select %lt3A_546, %add3A_545, %select_n3A_502 : vector<16xi1>, vector<16xf32>
        %select_n3A_548 = arith.select %lt3A_546, %broadcast_in_dim3A_517, %select_n3A_503 : vector<16xi1>, vector<16xi32>
        %mul3A_549 = arith.mulf %get3A_43, %gather3A_518 : vector<16xf32>
        %add3A_550 = arith.addf %gather3A_521, %mul3A_549 : vector<16xf32>
        %mul3A_551 = arith.mulf %get3A_45, %gather3A_519 : vector<16xf32>
        %add3A_552 = arith.addf %add3A_550, %mul3A_551 : vector<16xf32>
        %mul3A_553 = arith.mulf %get3A_47, %gather3A_520 : vector<16xf32>
        %add3A_554 = arith.addf %add3A_552, %mul3A_553 : vector<16xf32>
        %lt3A_555 = arith.cmpf olt, %add3A_554, %select_n3A_511 : vector<16xf32>
        %select_n3A_556 = arith.select %lt3A_555, %add3A_554, %select_n3A_511 : vector<16xi1>, vector<16xf32>
        %select_n3A_557 = arith.select %lt3A_555, %broadcast_in_dim3A_517, %select_n3A_512 : vector<16xi1>, vector<16xi32>
        %mul3A_558 = arith.constant 16 : i32
        %mul3A_559 = arith.muli %scan3A_102, %mul3A_558 : i32
        %add3A_560 = arith.constant 10 : i32
        %add3A_561 = arith.addi %mul3A_559, %add3A_560 : i32
        %broadcast_in_dim3A_562 = vector.broadcast %add3A_561 : i32 to vector<16xi32>
        %gather3A_563 = tpu.vector_load_idx %arg14[%broadcast_in_dim3A_562] : memref<4096xf32, #tpu.memory_space<vmem>>[vector<16xi32>], vector<16xf32>,
        %gather3A_564 = tpu.vector_load_idx %arg15[%broadcast_in_dim3A_562] : memref<4096xf32, #tpu.memory_space<vmem>>[vector<16xi32>], vector<16xf32>,
        %gather3A_565 = tpu.vector_load_idx %arg16[%broadcast_in_dim3A_562] : memref<4096xf32, #tpu.memory_space<vmem>>[vector<16xi32>], vector<16xf32>,
        %gather3A_566 = tpu.vector_load_idx %arg17[%broadcast_in_dim3A_562] : memref<4096xf32, #tpu.memory_space<vmem>>[vector<16xi32>], vector<16xf32>,
        %mul3A_567 = arith.mulf %get3A_19, %gather3A_563 : vector<16xf32>
        %add3A_568 = arith.addf %gather3A_566, %mul3A_567 : vector<16xf32>
        %mul3A_569 = arith.mulf %get3A_21, %gather3A_564 : vector<16xf32>
        %add3A_570 = arith.addf %add3A_568, %mul3A_569 : vector<16xf32>
        %mul3A_571 = arith.mulf %get3A_23, %gather3A_565 : vector<16xf32>
        %add3A_572 = arith.addf %add3A_570, %mul3A_571 : vector<16xf32>
        %lt3A_573 = arith.cmpf olt, %add3A_572, %select_n3A_529 : vector<16xf32>
        %select_n3A_574 = arith.select %lt3A_573, %add3A_572, %select_n3A_529 : vector<16xi1>, vector<16xf32>
        %select_n3A_575 = arith.select %lt3A_573, %broadcast_in_dim3A_562, %select_n3A_530 : vector<16xi1>, vector<16xi32>
        %mul3A_576 = arith.mulf %get3A_27, %gather3A_563 : vector<16xf32>
        %add3A_577 = arith.addf %gather3A_566, %mul3A_576 : vector<16xf32>
        %mul3A_578 = arith.mulf %get3A_29, %gather3A_564 : vector<16xf32>
        %add3A_579 = arith.addf %add3A_577, %mul3A_578 : vector<16xf32>
        %mul3A_580 = arith.mulf %get3A_31, %gather3A_565 : vector<16xf32>
        %add3A_581 = arith.addf %add3A_579, %mul3A_580 : vector<16xf32>
        %lt3A_582 = arith.cmpf olt, %add3A_581, %select_n3A_538 : vector<16xf32>
        %select_n3A_583 = arith.select %lt3A_582, %add3A_581, %select_n3A_538 : vector<16xi1>, vector<16xf32>
        %select_n3A_584 = arith.select %lt3A_582, %broadcast_in_dim3A_562, %select_n3A_539 : vector<16xi1>, vector<16xi32>
        %mul3A_585 = arith.mulf %get3A_35, %gather3A_563 : vector<16xf32>
        %add3A_586 = arith.addf %gather3A_566, %mul3A_585 : vector<16xf32>
        %mul3A_587 = arith.mulf %get3A_37, %gather3A_564 : vector<16xf32>
        %add3A_588 = arith.addf %add3A_586, %mul3A_587 : vector<16xf32>
        %mul3A_589 = arith.mulf %get3A_39, %gather3A_565 : vector<16xf32>
        %add3A_590 = arith.addf %add3A_588, %mul3A_589 : vector<16xf32>
        %lt3A_591 = arith.cmpf olt, %add3A_590, %select_n3A_547 : vector<16xf32>
        %select_n3A_592 = arith.select %lt3A_591, %add3A_590, %select_n3A_547 : vector<16xi1>, vector<16xf32>
        %select_n3A_593 = arith.select %lt3A_591, %broadcast_in_dim3A_562, %select_n3A_548 : vector<16xi1>, vector<16xi32>
        %mul3A_594 = arith.mulf %get3A_43, %gather3A_563 : vector<16xf32>
        %add3A_595 = arith.addf %gather3A_566, %mul3A_594 : vector<16xf32>
        %mul3A_596 = arith.mulf %get3A_45, %gather3A_564 : vector<16xf32>
        %add3A_597 = arith.addf %add3A_595, %mul3A_596 : vector<16xf32>
        %mul3A_598 = arith.mulf %get3A_47, %gather3A_565 : vector<16xf32>
        %add3A_599 = arith.addf %add3A_597, %mul3A_598 : vector<16xf32>
        %lt3A_600 = arith.cmpf olt, %add3A_599, %select_n3A_556 : vector<16xf32>
        %select_n3A_601 = arith.select %lt3A_600, %add3A_599, %select_n3A_556 : vector<16xi1>, vector<16xf32>
        %select_n3A_602 = arith.select %lt3A_600, %broadcast_in_dim3A_562, %select_n3A_557 : vector<16xi1>, vector<16xi32>
        %mul3A_603 = arith.constant 16 : i32
        %mul3A_604 = arith.muli %scan3A_102, %mul3A_603 : i32
        %add3A_605 = arith.constant 11 : i32
        %add3A_606 = arith.addi %mul3A_604, %add3A_605 : i32
        %broadcast_in_dim3A_607 = vector.broadcast %add3A_606 : i32 to vector<16xi32>
        %gather3A_608 = tpu.vector_load_idx %arg14[%broadcast_in_dim3A_607] : memref<4096xf32, #tpu.memory_space<vmem>>[vector<16xi32>], vector<16xf32>,
        %gather3A_609 = tpu.vector_load_idx %arg15[%broadcast_in_dim3A_607] : memref<4096xf32, #tpu.memory_space<vmem>>[vector<16xi32>], vector<16xf32>,
        %gather3A_610 = tpu.vector_load_idx %arg16[%broadcast_in_dim3A_607] : memref<4096xf32, #tpu.memory_space<vmem>>[vector<16xi32>], vector<16xf32>,
        %gather3A_611 = tpu.vector_load_idx %arg17[%broadcast_in_dim3A_607] : memref<4096xf32, #tpu.memory_space<vmem>>[vector<16xi32>], vector<16xf32>,
        %mul3A_612 = arith.mulf %get3A_19, %gather3A_608 : vector<16xf32>
        %add3A_613 = arith.addf %gather3A_611, %mul3A_612 : vector<16xf32>
        %mul3A_614 = arith.mulf %get3A_21, %gather3A_609 : vector<16xf32>
        %add3A_615 = arith.addf %add3A_613, %mul3A_614 : vector<16xf32>
        %mul3A_616 = arith.mulf %get3A_23, %gather3A_610 : vector<16xf32>
        %add3A_617 = arith.addf %add3A_615, %mul3A_616 : vector<16xf32>
        %lt3A_618 = arith.cmpf olt, %add3A_617, %select_n3A_574 : vector<16xf32>
        %select_n3A_619 = arith.select %lt3A_618, %add3A_617, %select_n3A_574 : vector<16xi1>, vector<16xf32>
        %select_n3A_620 = arith.select %lt3A_618, %broadcast_in_dim3A_607, %select_n3A_575 : vector<16xi1>, vector<16xi32>
        %mul3A_621 = arith.mulf %get3A_27, %gather3A_608 : vector<16xf32>
        %add3A_622 = arith.addf %gather3A_611, %mul3A_621 : vector<16xf32>
        %mul3A_623 = arith.mulf %get3A_29, %gather3A_609 : vector<16xf32>
        %add3A_624 = arith.addf %add3A_622, %mul3A_623 : vector<16xf32>
        %mul3A_625 = arith.mulf %get3A_31, %gather3A_610 : vector<16xf32>
        %add3A_626 = arith.addf %add3A_624, %mul3A_625 : vector<16xf32>
        %lt3A_627 = arith.cmpf olt, %add3A_626, %select_n3A_583 : vector<16xf32>
        %select_n3A_628 = arith.select %lt3A_627, %add3A_626, %select_n3A_583 : vector<16xi1>, vector<16xf32>
        %select_n3A_629 = arith.select %lt3A_627, %broadcast_in_dim3A_607, %select_n3A_584 : vector<16xi1>, vector<16xi32>
        %mul3A_630 = arith.mulf %get3A_35, %gather3A_608 : vector<16xf32>
        %add3A_631 = arith.addf %gather3A_611, %mul3A_630 : vector<16xf32>
        %mul3A_632 = arith.mulf %get3A_37, %gather3A_609 : vector<16xf32>
        %add3A_633 = arith.addf %add3A_631, %mul3A_632 : vector<16xf32>
        %mul3A_634 = arith.mulf %get3A_39, %gather3A_610 : vector<16xf32>
        %add3A_635 = arith.addf %add3A_633, %mul3A_634 : vector<16xf32>
        %lt3A_636 = arith.cmpf olt, %add3A_635, %select_n3A_592 : vector<16xf32>
        %select_n3A_637 = arith.select %lt3A_636, %add3A_635, %select_n3A_592 : vector<16xi1>, vector<16xf32>
        %select_n3A_638 = arith.select %lt3A_636, %broadcast_in_dim3A_607, %select_n3A_593 : vector<16xi1>, vector<16xi32>
        %mul3A_639 = arith.mulf %get3A_43, %gather3A_608 : vector<16xf32>
        %add3A_640 = arith.addf %gather3A_611, %mul3A_639 : vector<16xf32>
        %mul3A_641 = arith.mulf %get3A_45, %gather3A_609 : vector<16xf32>
        %add3A_642 = arith.addf %add3A_640, %mul3A_641 : vector<16xf32>
        %mul3A_643 = arith.mulf %get3A_47, %gather3A_610 : vector<16xf32>
        %add3A_644 = arith.addf %add3A_642, %mul3A_643 : vector<16xf32>
        %lt3A_645 = arith.cmpf olt, %add3A_644, %select_n3A_601 : vector<16xf32>
        %select_n3A_646 = arith.select %lt3A_645, %add3A_644, %select_n3A_601 : vector<16xi1>, vector<16xf32>
        %select_n3A_647 = arith.select %lt3A_645, %broadcast_in_dim3A_607, %select_n3A_602 : vector<16xi1>, vector<16xi32>
        %mul3A_648 = arith.constant 16 : i32
        %mul3A_649 = arith.muli %scan3A_102, %mul3A_648 : i32
        %add3A_650 = arith.constant 12 : i32
        %add3A_651 = arith.addi %mul3A_649, %add3A_650 : i32
        %broadcast_in_dim3A_652 = vector.broadcast %add3A_651 : i32 to vector<16xi32>
        %gather3A_653 = tpu.vector_load_idx %arg14[%broadcast_in_dim3A_652] : memref<4096xf32, #tpu.memory_space<vmem>>[vector<16xi32>], vector<16xf32>,
        %gather3A_654 = tpu.vector_load_idx %arg15[%broadcast_in_dim3A_652] : memref<4096xf32, #tpu.memory_space<vmem>>[vector<16xi32>], vector<16xf32>,
        %gather3A_655 = tpu.vector_load_idx %arg16[%broadcast_in_dim3A_652] : memref<4096xf32, #tpu.memory_space<vmem>>[vector<16xi32>], vector<16xf32>,
        %gather3A_656 = tpu.vector_load_idx %arg17[%broadcast_in_dim3A_652] : memref<4096xf32, #tpu.memory_space<vmem>>[vector<16xi32>], vector<16xf32>,
        %mul3A_657 = arith.mulf %get3A_19, %gather3A_653 : vector<16xf32>
        %add3A_658 = arith.addf %gather3A_656, %mul3A_657 : vector<16xf32>
        %mul3A_659 = arith.mulf %get3A_21, %gather3A_654 : vector<16xf32>
        %add3A_660 = arith.addf %add3A_658, %mul3A_659 : vector<16xf32>
        %mul3A_661 = arith.mulf %get3A_23, %gather3A_655 : vector<16xf32>
        %add3A_662 = arith.addf %add3A_660, %mul3A_661 : vector<16xf32>
        %lt3A_663 = arith.cmpf olt, %add3A_662, %select_n3A_619 : vector<16xf32>
        %select_n3A_664 = arith.select %lt3A_663, %add3A_662, %select_n3A_619 : vector<16xi1>, vector<16xf32>
        %select_n3A_665 = arith.select %lt3A_663, %broadcast_in_dim3A_652, %select_n3A_620 : vector<16xi1>, vector<16xi32>
        %mul3A_666 = arith.mulf %get3A_27, %gather3A_653 : vector<16xf32>
        %add3A_667 = arith.addf %gather3A_656, %mul3A_666 : vector<16xf32>
        %mul3A_668 = arith.mulf %get3A_29, %gather3A_654 : vector<16xf32>
        %add3A_669 = arith.addf %add3A_667, %mul3A_668 : vector<16xf32>
        %mul3A_670 = arith.mulf %get3A_31, %gather3A_655 : vector<16xf32>
        %add3A_671 = arith.addf %add3A_669, %mul3A_670 : vector<16xf32>
        %lt3A_672 = arith.cmpf olt, %add3A_671, %select_n3A_628 : vector<16xf32>
        %select_n3A_673 = arith.select %lt3A_672, %add3A_671, %select_n3A_628 : vector<16xi1>, vector<16xf32>
        %select_n3A_674 = arith.select %lt3A_672, %broadcast_in_dim3A_652, %select_n3A_629 : vector<16xi1>, vector<16xi32>
        %mul3A_675 = arith.mulf %get3A_35, %gather3A_653 : vector<16xf32>
        %add3A_676 = arith.addf %gather3A_656, %mul3A_675 : vector<16xf32>
        %mul3A_677 = arith.mulf %get3A_37, %gather3A_654 : vector<16xf32>
        %add3A_678 = arith.addf %add3A_676, %mul3A_677 : vector<16xf32>
        %mul3A_679 = arith.mulf %get3A_39, %gather3A_655 : vector<16xf32>
        %add3A_680 = arith.addf %add3A_678, %mul3A_679 : vector<16xf32>
        %lt3A_681 = arith.cmpf olt, %add3A_680, %select_n3A_637 : vector<16xf32>
        %select_n3A_682 = arith.select %lt3A_681, %add3A_680, %select_n3A_637 : vector<16xi1>, vector<16xf32>
        %select_n3A_683 = arith.select %lt3A_681, %broadcast_in_dim3A_652, %select_n3A_638 : vector<16xi1>, vector<16xi32>
        %mul3A_684 = arith.mulf %get3A_43, %gather3A_653 : vector<16xf32>
        %add3A_685 = arith.addf %gather3A_656, %mul3A_684 : vector<16xf32>
        %mul3A_686 = arith.mulf %get3A_45, %gather3A_654 : vector<16xf32>
        %add3A_687 = arith.addf %add3A_685, %mul3A_686 : vector<16xf32>
        %mul3A_688 = arith.mulf %get3A_47, %gather3A_655 : vector<16xf32>
        %add3A_689 = arith.addf %add3A_687, %mul3A_688 : vector<16xf32>
        %lt3A_690 = arith.cmpf olt, %add3A_689, %select_n3A_646 : vector<16xf32>
        %select_n3A_691 = arith.select %lt3A_690, %add3A_689, %select_n3A_646 : vector<16xi1>, vector<16xf32>
        %select_n3A_692 = arith.select %lt3A_690, %broadcast_in_dim3A_652, %select_n3A_647 : vector<16xi1>, vector<16xi32>
        %mul3A_693 = arith.constant 16 : i32
        %mul3A_694 = arith.muli %scan3A_102, %mul3A_693 : i32
        %add3A_695 = arith.constant 13 : i32
        %add3A_696 = arith.addi %mul3A_694, %add3A_695 : i32
        %broadcast_in_dim3A_697 = vector.broadcast %add3A_696 : i32 to vector<16xi32>
        %gather3A_698 = tpu.vector_load_idx %arg14[%broadcast_in_dim3A_697] : memref<4096xf32, #tpu.memory_space<vmem>>[vector<16xi32>], vector<16xf32>,
        %gather3A_699 = tpu.vector_load_idx %arg15[%broadcast_in_dim3A_697] : memref<4096xf32, #tpu.memory_space<vmem>>[vector<16xi32>], vector<16xf32>,
        %gather3A_700 = tpu.vector_load_idx %arg16[%broadcast_in_dim3A_697] : memref<4096xf32, #tpu.memory_space<vmem>>[vector<16xi32>], vector<16xf32>,
        %gather3A_701 = tpu.vector_load_idx %arg17[%broadcast_in_dim3A_697] : memref<4096xf32, #tpu.memory_space<vmem>>[vector<16xi32>], vector<16xf32>,
        %mul3A_702 = arith.mulf %get3A_19, %gather3A_698 : vector<16xf32>
        %add3A_703 = arith.addf %gather3A_701, %mul3A_702 : vector<16xf32>
        %mul3A_704 = arith.mulf %get3A_21, %gather3A_699 : vector<16xf32>
        %add3A_705 = arith.addf %add3A_703, %mul3A_704 : vector<16xf32>
        %mul3A_706 = arith.mulf %get3A_23, %gather3A_700 : vector<16xf32>
        %add3A_707 = arith.addf %add3A_705, %mul3A_706 : vector<16xf32>
        %lt3A_708 = arith.cmpf olt, %add3A_707, %select_n3A_664 : vector<16xf32>
        %select_n3A_709 = arith.select %lt3A_708, %add3A_707, %select_n3A_664 : vector<16xi1>, vector<16xf32>
        %select_n3A_710 = arith.select %lt3A_708, %broadcast_in_dim3A_697, %select_n3A_665 : vector<16xi1>, vector<16xi32>
        %mul3A_711 = arith.mulf %get3A_27, %gather3A_698 : vector<16xf32>
        %add3A_712 = arith.addf %gather3A_701, %mul3A_711 : vector<16xf32>
        %mul3A_713 = arith.mulf %get3A_29, %gather3A_699 : vector<16xf32>
        %add3A_714 = arith.addf %add3A_712, %mul3A_713 : vector<16xf32>
        %mul3A_715 = arith.mulf %get3A_31, %gather3A_700 : vector<16xf32>
        %add3A_716 = arith.addf %add3A_714, %mul3A_715 : vector<16xf32>
        %lt3A_717 = arith.cmpf olt, %add3A_716, %select_n3A_673 : vector<16xf32>
        %select_n3A_718 = arith.select %lt3A_717, %add3A_716, %select_n3A_673 : vector<16xi1>, vector<16xf32>
        %select_n3A_719 = arith.select %lt3A_717, %broadcast_in_dim3A_697, %select_n3A_674 : vector<16xi1>, vector<16xi32>
        %mul3A_720 = arith.mulf %get3A_35, %gather3A_698 : vector<16xf32>
        %add3A_721 = arith.addf %gather3A_701, %mul3A_720 : vector<16xf32>
        %mul3A_722 = arith.mulf %get3A_37, %gather3A_699 : vector<16xf32>
        %add3A_723 = arith.addf %add3A_721, %mul3A_722 : vector<16xf32>
        %mul3A_724 = arith.mulf %get3A_39, %gather3A_700 : vector<16xf32>
        %add3A_725 = arith.addf %add3A_723, %mul3A_724 : vector<16xf32>
        %lt3A_726 = arith.cmpf olt, %add3A_725, %select_n3A_682 : vector<16xf32>
        %select_n3A_727 = arith.select %lt3A_726, %add3A_725, %select_n3A_682 : vector<16xi1>, vector<16xf32>
        %select_n3A_728 = arith.select %lt3A_726, %broadcast_in_dim3A_697, %select_n3A_683 : vector<16xi1>, vector<16xi32>
        %mul3A_729 = arith.mulf %get3A_43, %gather3A_698 : vector<16xf32>
        %add3A_730 = arith.addf %gather3A_701, %mul3A_729 : vector<16xf32>
        %mul3A_731 = arith.mulf %get3A_45, %gather3A_699 : vector<16xf32>
        %add3A_732 = arith.addf %add3A_730, %mul3A_731 : vector<16xf32>
        %mul3A_733 = arith.mulf %get3A_47, %gather3A_700 : vector<16xf32>
        %add3A_734 = arith.addf %add3A_732, %mul3A_733 : vector<16xf32>
        %lt3A_735 = arith.cmpf olt, %add3A_734, %select_n3A_691 : vector<16xf32>
        %select_n3A_736 = arith.select %lt3A_735, %add3A_734, %select_n3A_691 : vector<16xi1>, vector<16xf32>
        %select_n3A_737 = arith.select %lt3A_735, %broadcast_in_dim3A_697, %select_n3A_692 : vector<16xi1>, vector<16xi32>
        %mul3A_738 = arith.constant 16 : i32
        %mul3A_739 = arith.muli %scan3A_102, %mul3A_738 : i32
        %add3A_740 = arith.constant 14 : i32
        %add3A_741 = arith.addi %mul3A_739, %add3A_740 : i32
        %broadcast_in_dim3A_742 = vector.broadcast %add3A_741 : i32 to vector<16xi32>
        %gather3A_743 = tpu.vector_load_idx %arg14[%broadcast_in_dim3A_742] : memref<4096xf32, #tpu.memory_space<vmem>>[vector<16xi32>], vector<16xf32>,
        %gather3A_744 = tpu.vector_load_idx %arg15[%broadcast_in_dim3A_742] : memref<4096xf32, #tpu.memory_space<vmem>>[vector<16xi32>], vector<16xf32>,
        %gather3A_745 = tpu.vector_load_idx %arg16[%broadcast_in_dim3A_742] : memref<4096xf32, #tpu.memory_space<vmem>>[vector<16xi32>], vector<16xf32>,
        %gather3A_746 = tpu.vector_load_idx %arg17[%broadcast_in_dim3A_742] : memref<4096xf32, #tpu.memory_space<vmem>>[vector<16xi32>], vector<16xf32>,
        %mul3A_747 = arith.mulf %get3A_19, %gather3A_743 : vector<16xf32>
        %add3A_748 = arith.addf %gather3A_746, %mul3A_747 : vector<16xf32>
        %mul3A_749 = arith.mulf %get3A_21, %gather3A_744 : vector<16xf32>
        %add3A_750 = arith.addf %add3A_748, %mul3A_749 : vector<16xf32>
        %mul3A_751 = arith.mulf %get3A_23, %gather3A_745 : vector<16xf32>
        %add3A_752 = arith.addf %add3A_750, %mul3A_751 : vector<16xf32>
        %lt3A_753 = arith.cmpf olt, %add3A_752, %select_n3A_709 : vector<16xf32>
        %select_n3A_754 = arith.select %lt3A_753, %add3A_752, %select_n3A_709 : vector<16xi1>, vector<16xf32>
        %select_n3A_755 = arith.select %lt3A_753, %broadcast_in_dim3A_742, %select_n3A_710 : vector<16xi1>, vector<16xi32>
        %mul3A_756 = arith.mulf %get3A_27, %gather3A_743 : vector<16xf32>
        %add3A_757 = arith.addf %gather3A_746, %mul3A_756 : vector<16xf32>
        %mul3A_758 = arith.mulf %get3A_29, %gather3A_744 : vector<16xf32>
        %add3A_759 = arith.addf %add3A_757, %mul3A_758 : vector<16xf32>
        %mul3A_760 = arith.mulf %get3A_31, %gather3A_745 : vector<16xf32>
        %add3A_761 = arith.addf %add3A_759, %mul3A_760 : vector<16xf32>
        %lt3A_762 = arith.cmpf olt, %add3A_761, %select_n3A_718 : vector<16xf32>
        %select_n3A_763 = arith.select %lt3A_762, %add3A_761, %select_n3A_718 : vector<16xi1>, vector<16xf32>
        %select_n3A_764 = arith.select %lt3A_762, %broadcast_in_dim3A_742, %select_n3A_719 : vector<16xi1>, vector<16xi32>
        %mul3A_765 = arith.mulf %get3A_35, %gather3A_743 : vector<16xf32>
        %add3A_766 = arith.addf %gather3A_746, %mul3A_765 : vector<16xf32>
        %mul3A_767 = arith.mulf %get3A_37, %gather3A_744 : vector<16xf32>
        %add3A_768 = arith.addf %add3A_766, %mul3A_767 : vector<16xf32>
        %mul3A_769 = arith.mulf %get3A_39, %gather3A_745 : vector<16xf32>
        %add3A_770 = arith.addf %add3A_768, %mul3A_769 : vector<16xf32>
        %lt3A_771 = arith.cmpf olt, %add3A_770, %select_n3A_727 : vector<16xf32>
        %select_n3A_772 = arith.select %lt3A_771, %add3A_770, %select_n3A_727 : vector<16xi1>, vector<16xf32>
        %select_n3A_773 = arith.select %lt3A_771, %broadcast_in_dim3A_742, %select_n3A_728 : vector<16xi1>, vector<16xi32>
        %mul3A_774 = arith.mulf %get3A_43, %gather3A_743 : vector<16xf32>
        %add3A_775 = arith.addf %gather3A_746, %mul3A_774 : vector<16xf32>
        %mul3A_776 = arith.mulf %get3A_45, %gather3A_744 : vector<16xf32>
        %add3A_777 = arith.addf %add3A_775, %mul3A_776 : vector<16xf32>
        %mul3A_778 = arith.mulf %get3A_47, %gather3A_745 : vector<16xf32>
        %add3A_779 = arith.addf %add3A_777, %mul3A_778 : vector<16xf32>
        %lt3A_780 = arith.cmpf olt, %add3A_779, %select_n3A_736 : vector<16xf32>
        %select_n3A_781 = arith.select %lt3A_780, %add3A_779, %select_n3A_736 : vector<16xi1>, vector<16xf32>
        %select_n3A_782 = arith.select %lt3A_780, %broadcast_in_dim3A_742, %select_n3A_737 : vector<16xi1>, vector<16xi32>
        %mul3A_783 = arith.constant 16 : i32
        %mul3A_784 = arith.muli %scan3A_102, %mul3A_783 : i32
        %add3A_785 = arith.constant 15 : i32
        %add3A_786 = arith.addi %mul3A_784, %add3A_785 : i32
        %broadcast_in_dim3A_787 = vector.broadcast %add3A_786 : i32 to vector<16xi32>
        %gather3A_788 = tpu.vector_load_idx %arg14[%broadcast_in_dim3A_787] : memref<4096xf32, #tpu.memory_space<vmem>>[vector<16xi32>], vector<16xf32>,
        %gather3A_789 = tpu.vector_load_idx %arg15[%broadcast_in_dim3A_787] : memref<4096xf32, #tpu.memory_space<vmem>>[vector<16xi32>], vector<16xf32>,
        %gather3A_790 = tpu.vector_load_idx %arg16[%broadcast_in_dim3A_787] : memref<4096xf32, #tpu.memory_space<vmem>>[vector<16xi32>], vector<16xf32>,
        %gather3A_791 = tpu.vector_load_idx %arg17[%broadcast_in_dim3A_787] : memref<4096xf32, #tpu.memory_space<vmem>>[vector<16xi32>], vector<16xf32>,
        %mul3A_792 = arith.mulf %get3A_19, %gather3A_788 : vector<16xf32>
        %add3A_793 = arith.addf %gather3A_791, %mul3A_792 : vector<16xf32>
        %mul3A_794 = arith.mulf %get3A_21, %gather3A_789 : vector<16xf32>
        %add3A_795 = arith.addf %add3A_793, %mul3A_794 : vector<16xf32>
        %mul3A_796 = arith.mulf %get3A_23, %gather3A_790 : vector<16xf32>
        %add3A_797 = arith.addf %add3A_795, %mul3A_796 : vector<16xf32>
        %lt3A_798 = arith.cmpf olt, %add3A_797, %select_n3A_754 : vector<16xf32>
        %select_n3A_799 = arith.select %lt3A_798, %add3A_797, %select_n3A_754 : vector<16xi1>, vector<16xf32>
        %select_n3A_800 = arith.select %lt3A_798, %broadcast_in_dim3A_787, %select_n3A_755 : vector<16xi1>, vector<16xi32>
        %mul3A_801 = arith.mulf %get3A_27, %gather3A_788 : vector<16xf32>
        %add3A_802 = arith.addf %gather3A_791, %mul3A_801 : vector<16xf32>
        %mul3A_803 = arith.mulf %get3A_29, %gather3A_789 : vector<16xf32>
        %add3A_804 = arith.addf %add3A_802, %mul3A_803 : vector<16xf32>
        %mul3A_805 = arith.mulf %get3A_31, %gather3A_790 : vector<16xf32>
        %add3A_806 = arith.addf %add3A_804, %mul3A_805 : vector<16xf32>
        %lt3A_807 = arith.cmpf olt, %add3A_806, %select_n3A_763 : vector<16xf32>
        %select_n3A_808 = arith.select %lt3A_807, %add3A_806, %select_n3A_763 : vector<16xi1>, vector<16xf32>
        %select_n3A_809 = arith.select %lt3A_807, %broadcast_in_dim3A_787, %select_n3A_764 : vector<16xi1>, vector<16xi32>
        %mul3A_810 = arith.mulf %get3A_35, %gather3A_788 : vector<16xf32>
        %add3A_811 = arith.addf %gather3A_791, %mul3A_810 : vector<16xf32>
        %mul3A_812 = arith.mulf %get3A_37, %gather3A_789 : vector<16xf32>
        %add3A_813 = arith.addf %add3A_811, %mul3A_812 : vector<16xf32>
        %mul3A_814 = arith.mulf %get3A_39, %gather3A_790 : vector<16xf32>
        %add3A_815 = arith.addf %add3A_813, %mul3A_814 : vector<16xf32>
        %lt3A_816 = arith.cmpf olt, %add3A_815, %select_n3A_772 : vector<16xf32>
        %select_n3A_817 = arith.select %lt3A_816, %add3A_815, %select_n3A_772 : vector<16xi1>, vector<16xf32>
        %select_n3A_818 = arith.select %lt3A_816, %broadcast_in_dim3A_787, %select_n3A_773 : vector<16xi1>, vector<16xi32>
        %mul3A_819 = arith.mulf %get3A_43, %gather3A_788 : vector<16xf32>
        %add3A_820 = arith.addf %gather3A_791, %mul3A_819 : vector<16xf32>
        %mul3A_821 = arith.mulf %get3A_45, %gather3A_789 : vector<16xf32>
        %add3A_822 = arith.addf %add3A_820, %mul3A_821 : vector<16xf32>
        %mul3A_823 = arith.mulf %get3A_47, %gather3A_790 : vector<16xf32>
        %add3A_824 = arith.addf %add3A_822, %mul3A_823 : vector<16xf32>
        %lt3A_825 = arith.cmpf olt, %add3A_824, %select_n3A_781 : vector<16xf32>
        %select_n3A_826 = arith.select %lt3A_825, %add3A_824, %select_n3A_781 : vector<16xi1>, vector<16xf32>
        %select_n3A_827 = arith.select %lt3A_825, %broadcast_in_dim3A_787, %select_n3A_782 : vector<16xi1>, vector<16xi32>
        scf.yield %select_n3A_799, %select_n3A_808, %select_n3A_817, %select_n3A_826, %select_n3A_800, %select_n3A_809, %select_n3A_818, %select_n3A_827 : vector<16xf32>, vector<16xf32>, vector<16xf32>, vector<16xf32>, vector<16xi32>, vector<16xi32>, vector<16xi32>, vector<16xi32>
      }
      %scan3A_53 = arith.constant 256 : i32
      %mul3A_54 = arith.mulf %get3A_19, %get3A_19 : vector<16xf32>
      %mul3A_55 = arith.mulf %get3A_21, %get3A_21 : vector<16xf32>
      %add3A_56 = arith.addf %mul3A_54, %mul3A_55 : vector<16xf32>
      %mul3A_57 = arith.mulf %get3A_23, %get3A_23 : vector<16xf32>
      %add3A_58 = arith.addf %add3A_56, %mul3A_57 : vector<16xf32>
      %add3A_59 = arith.constant 0 : i32
      %add3A_60 = arith.addi %mul3A_16, %add3A_59 : i32
      %add3A_61 = arith.addf %scan3A_52#0, %add3A_58 : vector<16xf32>
      %swap3A = arith.index_cast %add3A_60 : i32 to index
      %swap3A_62 = tpu.vector_load %arg18[%swap3A] {strides = array<i32>} : memref<320xf32, #tpu.memory_space<vmem>>, vector<16xf32>,
      tpu.vector_store %arg18[%swap3A], %add3A_61 {strides = array<i32>} : memref<320xf32, #tpu.memory_space<vmem>>, vector<16xf32>,
      %swap3A_63 = arith.index_cast %add3A_60 : i32 to index
      %swap3A_64 = tpu.vector_load %arg19[%swap3A_63] {strides = array<i32>} : memref<320xi32, #tpu.memory_space<vmem>>, vector<16xi32>,
      tpu.vector_store %arg19[%swap3A_63], %scan3A_52#4 {strides = array<i32>} : memref<320xi32, #tpu.memory_space<vmem>>, vector<16xi32>,
      %mul3A_65 = arith.mulf %get3A_27, %get3A_27 : vector<16xf32>
      %mul3A_66 = arith.mulf %get3A_29, %get3A_29 : vector<16xf32>
      %add3A_67 = arith.addf %mul3A_65, %mul3A_66 : vector<16xf32>
      %mul3A_68 = arith.mulf %get3A_31, %get3A_31 : vector<16xf32>
      %add3A_69 = arith.addf %add3A_67, %mul3A_68 : vector<16xf32>
      %add3A_70 = arith.constant 16 : i32
      %add3A_71 = arith.addi %mul3A_16, %add3A_70 : i32
      %add3A_72 = arith.addf %scan3A_52#1, %add3A_69 : vector<16xf32>
      %swap3A_73 = arith.index_cast %add3A_71 : i32 to index
      %swap3A_74 = tpu.vector_load %arg18[%swap3A_73] {strides = array<i32>} : memref<320xf32, #tpu.memory_space<vmem>>, vector<16xf32>,
      tpu.vector_store %arg18[%swap3A_73], %add3A_72 {strides = array<i32>} : memref<320xf32, #tpu.memory_space<vmem>>, vector<16xf32>,
      %swap3A_75 = arith.index_cast %add3A_71 : i32 to index
      %swap3A_76 = tpu.vector_load %arg19[%swap3A_75] {strides = array<i32>} : memref<320xi32, #tpu.memory_space<vmem>>, vector<16xi32>,
      tpu.vector_store %arg19[%swap3A_75], %scan3A_52#5 {strides = array<i32>} : memref<320xi32, #tpu.memory_space<vmem>>, vector<16xi32>,
      %mul3A_77 = arith.mulf %get3A_35, %get3A_35 : vector<16xf32>
      %mul3A_78 = arith.mulf %get3A_37, %get3A_37 : vector<16xf32>
      %add3A_79 = arith.addf %mul3A_77, %mul3A_78 : vector<16xf32>
      %mul3A_80 = arith.mulf %get3A_39, %get3A_39 : vector<16xf32>
      %add3A_81 = arith.addf %add3A_79, %mul3A_80 : vector<16xf32>
      %add3A_82 = arith.constant 32 : i32
      %add3A_83 = arith.addi %mul3A_16, %add3A_82 : i32
      %add3A_84 = arith.addf %scan3A_52#2, %add3A_81 : vector<16xf32>
      %swap3A_85 = arith.index_cast %add3A_83 : i32 to index
      %swap3A_86 = tpu.vector_load %arg18[%swap3A_85] {strides = array<i32>} : memref<320xf32, #tpu.memory_space<vmem>>, vector<16xf32>,
      tpu.vector_store %arg18[%swap3A_85], %add3A_84 {strides = array<i32>} : memref<320xf32, #tpu.memory_space<vmem>>, vector<16xf32>,
      %swap3A_87 = arith.index_cast %add3A_83 : i32 to index
      %swap3A_88 = tpu.vector_load %arg19[%swap3A_87] {strides = array<i32>} : memref<320xi32, #tpu.memory_space<vmem>>, vector<16xi32>,
      tpu.vector_store %arg19[%swap3A_87], %scan3A_52#6 {strides = array<i32>} : memref<320xi32, #tpu.memory_space<vmem>>, vector<16xi32>,
      %mul3A_89 = arith.mulf %get3A_43, %get3A_43 : vector<16xf32>
      %mul3A_90 = arith.mulf %get3A_45, %get3A_45 : vector<16xf32>
      %add3A_91 = arith.addf %mul3A_89, %mul3A_90 : vector<16xf32>
      %mul3A_92 = arith.mulf %get3A_47, %get3A_47 : vector<16xf32>
      %add3A_93 = arith.addf %add3A_91, %mul3A_92 : vector<16xf32>
      %add3A_94 = arith.constant 48 : i32
      %add3A_95 = arith.addi %mul3A_16, %add3A_94 : i32
      %add3A_96 = arith.addf %scan3A_52#3, %add3A_93 : vector<16xf32>
      %swap3A_97 = arith.index_cast %add3A_95 : i32 to index
      %swap3A_98 = tpu.vector_load %arg18[%swap3A_97] {strides = array<i32>} : memref<320xf32, #tpu.memory_space<vmem>>, vector<16xf32>,
      tpu.vector_store %arg18[%swap3A_97], %add3A_96 {strides = array<i32>} : memref<320xf32, #tpu.memory_space<vmem>>, vector<16xf32>,
      %swap3A_99 = arith.index_cast %add3A_95 : i32 to index
      %swap3A_100 = tpu.vector_load %arg19[%swap3A_99] {strides = array<i32>} : memref<320xi32, #tpu.memory_space<vmem>>, vector<16xi32>,
      tpu.vector_store %arg19[%swap3A_99], %scan3A_52#7 {strides = array<i32>} : memref<320xi32, #tpu.memory_space<vmem>>, vector<16xi32>,
      %scan3A_101 = arith.constant 0 : i32
      scf.yield %scan3A_101 : i32
    }
    %scan3A_12 = arith.constant 5 : i32
    "tpu.region"() ({
      %run_scoped3A = tpu.sem_alloc : memref<!tpu.dma_semaphore, #tpu.memory_space<semaphore_mem>>
      %dma_start3A = tpu.memref_slice %arg9[%mul3A_2] : memref<10240xf32, #tpu.memory_space<hbm>> -> memref<320xf32, #tpu.memory_space<hbm>>
      %dma_start3A_13 = tpu.memref_slice %arg9[%mul3A_2] : memref<10240xf32, #tpu.memory_space<hbm>> -> memref<320xf32, #tpu.memory_space<hbm>>
      tpu.enqueue_dma source(%arg18 : memref<320xf32, #tpu.memory_space<vmem>>) target(%dma_start3A_13 : memref<320xf32, #tpu.memory_space<hbm>>) target_semaphore(%run_scoped3A : memref<!tpu.dma_semaphore, #tpu.memory_space<semaphore_mem>>)
      %dma_wait3A = tpu.memref_slice %arg9[%mul3A_2] : memref<10240xf32, #tpu.memory_space<hbm>> -> memref<320xf32, #tpu.memory_space<hbm>>
      %dma_wait3A_14 = tpu.memref_slice %arg9[%mul3A_2] : memref<10240xf32, #tpu.memory_space<hbm>> -> memref<320xf32, #tpu.memory_space<hbm>>
      tpu.wait_dma2 semaphore(%run_scoped3A : memref<!tpu.dma_semaphore, #tpu.memory_space<semaphore_mem>>) src(%arg18 : memref<320xf32, #tpu.memory_space<vmem>>) dst(%dma_wait3A_14 : memref<320xf32, #tpu.memory_space<hbm>>)
      tpu.yield
    }) : () -> ()
    "tpu.region"() ({
      %run_scoped3A = tpu.sem_alloc : memref<!tpu.dma_semaphore, #tpu.memory_space<semaphore_mem>>
      %dma_start3A = tpu.memref_slice %arg10[%mul3A_2] : memref<10240xi32, #tpu.memory_space<hbm>> -> memref<320xi32, #tpu.memory_space<hbm>>
      %dma_start3A_13 = tpu.memref_slice %arg10[%mul3A_2] : memref<10240xi32, #tpu.memory_space<hbm>> -> memref<320xi32, #tpu.memory_space<hbm>>
      tpu.enqueue_dma source(%arg19 : memref<320xi32, #tpu.memory_space<vmem>>) target(%dma_start3A_13 : memref<320xi32, #tpu.memory_space<hbm>>) target_semaphore(%run_scoped3A : memref<!tpu.dma_semaphore, #tpu.memory_space<semaphore_mem>>)
      %dma_wait3A = tpu.memref_slice %arg10[%mul3A_2] : memref<10240xi32, #tpu.memory_space<hbm>> -> memref<320xi32, #tpu.memory_space<hbm>>
      %dma_wait3A_14 = tpu.memref_slice %arg10[%mul3A_2] : memref<10240xi32, #tpu.memory_space<hbm>> -> memref<320xi32, #tpu.memory_space<hbm>>
      tpu.wait_dma2 semaphore(%run_scoped3A : memref<!tpu.dma_semaphore, #tpu.memory_space<semaphore_mem>>) src(%arg19 : memref<320xi32, #tpu.memory_space<vmem>>) dst(%dma_wait3A_14 : memref<320xi32, #tpu.memory_space<hbm>>)
      tpu.yield
    }) : () -> ()
    return
  }
}

module attributes {stable_mosaic.version = 14 : i64} {
  func.func @_tc_body(%arg0: i32, %arg1: i32, %arg2: memref<1x256x3xf32, #tpu.memory_space<vmem>>, %arg3: memref<1x4x4096xf32, #tpu.memory_space<vmem>>, %arg4: memref<1x1x1x256xf32, #tpu.memory_space<vmem>>, %arg5: memref<1x1x1x256xi32, #tpu.memory_space<vmem>>) attributes {dimension_semantics = [#tpu.dimension_semantics<arbitrary>, #tpu.dimension_semantics<arbitrary>], iteration_bounds = array<i64: 8, 11>, scalar_prefetch = 0 : i64, scratch_operands = 0 : i64, tpu.core_type = #tpu.core_type<tc>, window_params = [{transform_indices = @transform_0, window_bounds = array<i64: 1, 256, 3>}, {transform_indices = @transform_1, window_bounds = array<i64: 1, 4, 4096>}, {transform_indices = @transform_2, window_bounds = array<i64: 1, 1, 1, 256>}, {transform_indices = @transform_3, window_bounds = array<i64: 1, 1, 1, 256>}]} {
    %get3A = arith.constant 0 : index
    %get3A_0 = arith.constant 0 : index
    %get3A_1 = arith.constant 0 : index
    %get3A_2 = vector.load %arg2[%get3A, %get3A_0, %get3A_1] : memref<1x256x3xf32, #tpu.memory_space<vmem>>, vector<1x256x3xf32>
    %get3A_3 = vector.shape_cast %get3A_2 : vector<1x256x3xf32> to vector<256x3xf32>
    %get3A_4 = arith.constant 0 : index
    %get3A_5 = arith.constant 0 : index
    %get3A_6 = arith.constant 0 : index
    %get3A_7 = vector.load %arg3[%get3A_4, %get3A_5, %get3A_6] : memref<1x4x4096xf32, #tpu.memory_space<vmem>>, vector<1x4x4096xf32>
    %get3A_8 = vector.shape_cast %get3A_7 : vector<1x4x4096xf32> to vector<4x4096xf32>
    %slice3A = vector.extract_strided_slice %get3A_3 {offsets = [0, 0], sizes = [256, 1], strides = [1, 1]} : vector<256x3xf32> to vector<256x1xf32>
    %slice3A_9 = vector.extract_strided_slice %get3A_8 {offsets = [0, 0], sizes = [1, 4096], strides = [1, 1]} : vector<4x4096xf32> to vector<1x4096xf32>
    %mul3A = vector.broadcast %slice3A : vector<256x1xf32> to vector<256x4096xf32>
    %mul3A_10 = vector.broadcast %slice3A_9 : vector<1x4096xf32> to vector<256x4096xf32>
    %mul3A_11 = arith.mulf %mul3A, %mul3A_10 : vector<256x4096xf32>
    %slice3A_12 = vector.extract_strided_slice %get3A_8 {offsets = [3, 0], sizes = [1, 4096], strides = [1, 1]} : vector<4x4096xf32> to vector<1x4096xf32>
    %add3A = vector.broadcast %slice3A_12 : vector<1x4096xf32> to vector<256x4096xf32>
    %add3A_13 = arith.addf %mul3A_11, %add3A : vector<256x4096xf32>
    %slice3A_14 = vector.extract_strided_slice %get3A_3 {offsets = [0, 1], sizes = [256, 1], strides = [1, 1]} : vector<256x3xf32> to vector<256x1xf32>
    %slice3A_15 = vector.extract_strided_slice %get3A_8 {offsets = [1, 0], sizes = [1, 4096], strides = [1, 1]} : vector<4x4096xf32> to vector<1x4096xf32>
    %mul3A_16 = vector.broadcast %slice3A_14 : vector<256x1xf32> to vector<256x4096xf32>
    %mul3A_17 = vector.broadcast %slice3A_15 : vector<1x4096xf32> to vector<256x4096xf32>
    %mul3A_18 = arith.mulf %mul3A_16, %mul3A_17 : vector<256x4096xf32>
    %add3A_19 = arith.addf %add3A_13, %mul3A_18 : vector<256x4096xf32>
    %slice3A_20 = vector.extract_strided_slice %get3A_3 {offsets = [0, 2], sizes = [256, 1], strides = [1, 1]} : vector<256x3xf32> to vector<256x1xf32>
    %slice3A_21 = vector.extract_strided_slice %get3A_8 {offsets = [2, 0], sizes = [1, 4096], strides = [1, 1]} : vector<4x4096xf32> to vector<1x4096xf32>
    %mul3A_22 = vector.broadcast %slice3A_20 : vector<256x1xf32> to vector<256x4096xf32>
    %mul3A_23 = vector.broadcast %slice3A_21 : vector<1x4096xf32> to vector<256x4096xf32>
    %mul3A_24 = arith.mulf %mul3A_22, %mul3A_23 : vector<256x4096xf32>
    %add3A_25 = arith.addf %add3A_19, %mul3A_24 : vector<256x4096xf32>
    %reduce_min3A = arith.constant dense<0x7F800000> : vector<256xf32>
    %reduce_min3A_26 = vector.multi_reduction <minimumf>, %add3A_25, %reduce_min3A [1] : vector<256x4096xf32> to vector<256xf32>
    %broadcast_in_dim3A = vector.shape_cast %reduce_min3A_26 : vector<256xf32> to vector<256x1xf32>
    %iota3A = tpu.iota {dimensions = array<i32: 1>} : vector<256x4096xi32>
    %convert_element_type3A = arith.sitofp %iota3A : vector<256x4096xi32> to vector<256x4096xf32>
    %eq3A = vector.broadcast %broadcast_in_dim3A : vector<256x1xf32> to vector<256x4096xf32>
    %eq3A_27 = arith.cmpf oeq, %add3A_25, %eq3A : vector<256x4096xf32>
    %jit3A = arith.constant 4.096000e+03 : f32
    %broadcast_in_dim3A_28 = vector.broadcast %jit3A : f32 to vector<256x4096xf32>
    %select_n3A = arith.select %eq3A_27, %convert_element_type3A, %broadcast_in_dim3A_28 : vector<256x4096xi1>, vector<256x4096xf32>
    %reduce_min3A_29 = arith.constant dense<0x7F800000> : vector<256xf32>
    %reduce_min3A_30 = vector.multi_reduction <minimumf>, %select_n3A, %reduce_min3A_29 [1] : vector<256x4096xf32> to vector<256xf32>
    %slice3A_31 = vector.extract_strided_slice %get3A_3 {offsets = [0, 0], sizes = [256, 1], strides = [1, 1]} : vector<256x3xf32> to vector<256x1xf32>
    %slice3A_32 = vector.extract_strided_slice %get3A_3 {offsets = [0, 1], sizes = [256, 1], strides = [1, 1]} : vector<256x3xf32> to vector<256x1xf32>
    %slice3A_33 = vector.extract_strided_slice %get3A_3 {offsets = [0, 2], sizes = [256, 1], strides = [1, 1]} : vector<256x3xf32> to vector<256x1xf32>
    %mul3A_34 = arith.mulf %slice3A_31, %slice3A_31 : vector<256x1xf32>
    %mul3A_35 = arith.mulf %slice3A_32, %slice3A_32 : vector<256x1xf32>
    %add3A_36 = arith.addf %mul3A_34, %mul3A_35 : vector<256x1xf32>
    %mul3A_37 = arith.mulf %slice3A_33, %slice3A_33 : vector<256x1xf32>
    %add3A_38 = arith.addf %add3A_36, %mul3A_37 : vector<256x1xf32>
    %add3A_39 = arith.addf %broadcast_in_dim3A, %add3A_38 : vector<256x1xf32>
    %squeeze3A = vector.shape_cast %add3A_39 : vector<256x1xf32> to vector<256xf32>
    %swap3A = arith.constant 0 : index
    %swap3A_40 = arith.constant 0 : index
    %swap3A_41 = arith.constant 0 : index
    %swap3A_42 = arith.constant 0 : index
    %swap3A_43 = vector.load %arg4[%swap3A, %swap3A_40, %swap3A_41, %swap3A_42] : memref<1x1x1x256xf32, #tpu.memory_space<vmem>>, vector<1x1x1x256xf32>
    %swap3A_44 = vector.shape_cast %swap3A_43 : vector<1x1x1x256xf32> to vector<256xf32>
    %swap3A_45 = vector.shape_cast %squeeze3A : vector<256xf32> to vector<1x1x1x256xf32>
    tpu.vector_store %arg4[%swap3A, %swap3A_40, %swap3A_41, %swap3A_42], %swap3A_45 {strides = array<i32>} : memref<1x1x1x256xf32, #tpu.memory_space<vmem>>, vector<1x1x1x256xf32>,
    %convert_element_type3A_46 = arith.fptosi %reduce_min3A_30 : vector<256xf32> to vector<256xi32>
    %swap3A_47 = arith.constant 0 : index
    %swap3A_48 = arith.constant 0 : index
    %swap3A_49 = arith.constant 0 : index
    %swap3A_50 = arith.constant 0 : index
    %swap3A_51 = vector.load %arg5[%swap3A_47, %swap3A_48, %swap3A_49, %swap3A_50] : memref<1x1x1x256xi32, #tpu.memory_space<vmem>>, vector<1x1x1x256xi32>
    %swap3A_52 = vector.shape_cast %swap3A_51 : vector<1x1x1x256xi32> to vector<256xi32>
    %swap3A_53 = vector.shape_cast %convert_element_type3A_46 : vector<256xi32> to vector<1x1x1x256xi32>
    tpu.vector_store %arg5[%swap3A_47, %swap3A_48, %swap3A_49, %swap3A_50], %swap3A_53 {strides = array<i32>} : memref<1x1x1x256xi32, #tpu.memory_space<vmem>>, vector<1x1x1x256xi32>,
    return
  }
  func.func @transform_0(%arg0: i32, %arg1: i32) -> (i32, i32, i32) {
    %c0_i32 = arith.constant 0 : i32
    %c0_i32_0 = arith.constant 0 : i32
    return %arg0, %arg1, %c0_i32 : i32, i32, i32
  }
  func.func @transform_1(%arg0: i32, %arg1: i32) -> (i32, i32, i32) {
    %c0_i32 = arith.constant 0 : i32
    %c0_i32_0 = arith.constant 0 : i32
    %c0_i32_1 = arith.constant 0 : i32
    return %arg0, %c0_i32, %c0_i32_0 : i32, i32, i32
  }
  func.func @transform_2(%arg0: i32, %arg1: i32) -> (i32, i32, i32, i32) {
    %c0_i32 = arith.constant 0 : i32
    %c0_i32_0 = arith.constant 0 : i32
    %c0_i32_1 = arith.constant 0 : i32
    return %arg0, %arg1, %c0_i32, %c0_i32_0 : i32, i32, i32, i32
  }
  func.func @transform_3(%arg0: i32, %arg1: i32) -> (i32, i32, i32, i32) {
    %c0_i32 = arith.constant 0 : i32
    %c0_i32_0 = arith.constant 0 : i32
    %c0_i32_1 = arith.constant 0 : i32
    return %arg0, %arg1, %c0_i32, %c0_i32_0 : i32, i32, i32, i32
  }
}

</mosaic_0001>

<sc_bundles>
// kernel: kernel.4.cloned.1.call-start
scs
__scs_entry_jumppad:
0x0: {  	(pc) =	sbr.rel $0x88, $3  }
0x1: {  	(tag) =	ssettag $0x0;
	lr =	simm.s32 $0x1  }
0x2: {  	[smem:$0x3F9F] =	sst lr;
	_ =	strace $0xD0000000  }
0x3: {  	_ = 	snop  }
0x4: {  	_ = 	snop  }
0x5: {  	_ = 	snop  }
0x6: {  	_ = 	snop  }
0x7: {  	_ = 	snop  }
__scs_overlays_trampoline_lowered:
0x8: {  	[smem:$0x3FAE] =	sst s0  }
0x9: {  	[smem:$0x3FAF] =	sst s1  }
0xa: {  	[smem:$0x3FB0] =	sst s2  }
0xb: {  	[smem:$0x3FB1] =	sst s3  }
0xc: {  	[smem:$0x3FB2] =	sst s4  }
0xd: {  	[smem:$0x3FB3] =	sst s5  }
0xe: {  	[smem:$0x3FB4] =	sst s6  }
0xf: {  	[smem:$0x3FB5] =	sst s7  }
0x10: {  	[smem:$0x3FB6] =	sst s8  }
0x11: {  	[smem:$0x3FB7] =	sst s9;
	s0 =	simm.s32 @!p0 $0x0  }
0x12: {  	s1 =	sld [smem:$0x3F9D];
	s0 =	simm.s32 @p0 $0x1  }
0x13: {  	[smem:$0x3FB8] =	sst s0;
	s0 =	simm.s32 @!p1 $0x0  }
0x14: {  	s2 =	sld [smem:$0x3F9C];
	s0 =	simm.s32 @p1 $0x1  }
0x15: {  	[smem:$0x3FB9] =	sst s0;
	s0 =	simm.s32 @!p2 $0x0  }
0x16: {  	s3 =	sld [smem:$0x3FDB];
	s0 =	simm.s32 @p2 $0x1  }
0x17: {  	s4 =	simm.s32 $0x1BF5;
	[smem:$0x3FBB] =	sst s0  }
0x18: {  	s0 =	sld [smem:$0x3F9E];
	_ =	swait.ge [sflag:s4], $0x0  }
0x19: {  	s7 =	sld [smem:$0x3F9F]  }
0x1a: {  	s8 =	sadd.s32 $0xFFFFE003, lr  }
0x1b: {  	s9 =	sadd.s32 $0xFFFFFEF7, lr;
	s5 =	simm.s32 $0xFFFFFFFF;
	p2 =	slt.u32 s8, $0xFFFFF086  }
0x1c: {  	p1 =	slt.u32 s9, $0xF7A;
	s5 =	simm.s32 @!p2 $0x0  }
0x1d: {  	s5 =	simm.s32 @p1 $0x1;
	p0 =	seq.s32 s7, s2  }
0x1e: {  	s7 =	smul.u32 @!p0 $0xF7A, s2;
	p2 =	seq.s32 @!p0 s5, $0x0  }
0x1f: {  	s9 =	smul.u32 $0xF7A, s1;
	s8 =	simm.s32 @!p0 $0x1BF5;
	p2 =	por !p2, p0  }
0x20: {  	[sflag:s8] =	ssyncset.s32 @!p0 $0xFFFFF086;
	s6 =	sadd.s32 @!p0 s3, s7;
	s7 =	simm.s32 @!p0 $0x108  }
0x21: {  	s3 =	sadd.s32 s3, s9;
	s6 =	sadd.s32 @!p0 $0x88, s6;
	s7 =	simm.s32 @p2 $0x1082  }
0x22: {  	[simem:s7], [sflag:s8] =	dma.local @!p0 [hbm:s6], $0xF7A  }
0x23: {  	s9 =	sor.u32 $0xD0000000, s2;
	s6 =	simm.s32 $0x108;
	_ =	swait.ge @!p0 [sflag:s8], $0x0  }
0x24: {  	s3 =	sadd.s32 $0x88, s3;
	s6 =	simm.s32 @!p1 $0x1082;
	[sflag:s4] =	ssyncset.s32 $0xFFFFF086  }
0x25: {  	[simem:s6], [sflag:s4] =	dma.local [hbm:s3], $0xF7A  }
0x26: {  	[smem:$0x3F9F] =	sst s1;
	(tag) =	ssettag s2;
	_ =	strace s9  }
0x27: {  	s1 =	sld [smem:$0x3FAF]  }
0x28: {  	s2 =	sld [smem:$0x3FB0]  }
0x29: {  	s4 =	sld [smem:$0x3FB2]  }
0x2a: {  	p0 =	seq.s32 s5, $0x0;
	s5 =	sld [smem:$0x3FB3]  }
0x2b: {  	s6 =	sld [smem:$0x3FB4]  }
0x2c: {  	s7 =	sld [smem:$0x3FB5]  }
0x2d: {  	s3 =	simm.s32 $0x108;
	s8 =	sld [smem:$0x3FB6]  }
0x2e: {  	s3 =	simm.s32 @!p0 $0x1082;
	s9 =	sld [smem:$0x3FB7]  }
0x2f: {  	lr =	sadd.s32 s0, s3;
	s0 =	sld [smem:$0x3FAE]  }
0x30: {  	s3 =	sld [smem:$0x3FB1]  }
0x31: {  	[smem:$0x3FBA] =	sst s10  }
0x32: {  	s10 =	sld [smem:$0x3FB8];
	_ =	sdelay $0x3  }
0x33: {  	p0 =	seq.s32 s10, $0x1;
	s10 =	sld [smem:$0x3FBA];
	_ =	sdelay $0x3  }
0x34: {  	[smem:$0x3FBA] =	sst s10  }
0x35: {  	s10 =	sld [smem:$0x3FB9];
	_ =	sdelay $0x3  }
0x36: {  	p1 =	seq.s32 s10, $0x1;
	s10 =	sld [smem:$0x3FBA];
	_ =	sdelay $0x3  }
0x37: {  	[smem:$0x3FBA] =	sst s10  }
0x38: {  	s10 =	sld [smem:$0x3FBB]  }
0x39: {  	_ = 	snop;
	(pc) =	sbr.ind lr, $3  }
0x3a: {  	_ = 	snop  }
0x3b: {  	_ = 	snop  }
0x3c: {  	p2 =	seq.s32 s10, $0x1;
	s10 =	sld [smem:$0x3FBA]  }
0x3d: {  	_ =	shalt  }
0x3e: {  	_ =	shalt  }
0x3f: {  	_ =	shalt  }
0x40: {  	_ =	shalt  }
0x41: {  	_ =	shalt  }
0x42: {  	_ =	shalt  }
0x43: {  	_ =	shalt  }
0x44: {  	_ =	shalt  }
0x45: {  	_ =	shalt  }
0x46: {  	_ =	shalt  }
0x47: {  	_ =	shalt  }
0x48: {  	_ =	shalt  }
0x49: {  	_ =	shalt  }
0x4a: {  	_ =	shalt  }
0x4b: {  	_ =	shalt  }
0x4c: {  	_ =	shalt  }
0x4d: {  	_ =	shalt  }
0x4e: {  	_ =	shalt  }
0x4f: {  	_ =	shalt  }
0x50: {  	_ =	shalt  }
0x51: {  	_ =	shalt  }
0x52: {  	_ =	shalt  }
0x53: {  	_ =	shalt  }
0x54: {  	_ =	shalt  }
0x55: {  	_ =	shalt  }
0x56: {  	_ =	shalt  }
0x57: {  	_ =	shalt  }
0x58: {  	_ =	shalt  }
0x59: {  	_ =	shalt  }
0x5a: {  	_ =	shalt  }
0x5b: {  	_ =	shalt  }
0x5c: {  	_ =	shalt  }
0x5d: {  	_ =	shalt  }
0x5e: {  	_ =	shalt  }
0x5f: {  	_ =	shalt  }
0x60: {  	_ =	shalt  }
0x61: {  	_ =	shalt  }
0x62: {  	_ =	shalt  }
0x63: {  	_ =	shalt  }
0x64: {  	_ =	shalt  }
0x65: {  	_ =	shalt  }
0x66: {  	_ =	shalt  }
0x67: {  	_ =	shalt  }
0x68: {  	_ =	shalt  }
0x69: {  	_ =	shalt  }
0x6a: {  	_ =	shalt  }
0x6b: {  	_ =	shalt  }
0x6c: {  	_ =	shalt  }
0x6d: {  	_ =	shalt  }
0x6e: {  	_ =	shalt  }
0x6f: {  	_ =	shalt  }
0x70: {  	_ =	shalt  }
0x71: {  	_ =	shalt  }
0x72: {  	_ =	shalt  }
0x73: {  	_ =	shalt  }
0x74: {  	_ =	shalt  }
0x75: {  	_ =	shalt  }
0x76: {  	_ =	shalt  }
0x77: {  	_ =	shalt  }
0x78: {  	_ =	shalt  }
0x79: {  	_ =	shalt  }
0x7a: {  	_ =	shalt  }
0x7b: {  	_ =	shalt  }
0x7c: {  	_ =	shalt  }
0x7d: {  	_ =	shalt  }
0x7e: {  	_ =	shalt  }
0x7f: {  	_ =	shalt  }
0x80: {  	_ =	shalt  }
0x81: {  	_ =	shalt  }
0x82: {  	_ =	shalt  }
0x83: {  	_ =	shalt  }
0x84: {  	_ =	shalt  }
0x85: {  	_ =	shalt  }
0x86: {  	_ =	shalt  }
0x87: {  	_ =	shalt  }
.Lfunc_end0:
.L_simem_size_0:
called_computation_lowered:
.L_overlay_start_0:
0x88: {  	s2 =	sld [smem:$0x3FD9]  }
0x89: {  	s3 =	sld [smem:$0x3FFE];
	_ =	sdelay $0x1  }
0x8a: {  	s1 =	srdreg.scid  }
0x8b: {  	s0 =	sand.u32 $0x1, s1  }
0x8c: {  	s14 =	sshll.u32 s0, $0xA;
	s2 =	sadd.s32 s3, s2  }
0x8d: {  	s2 =	sadd.s32 s2, s14  }
0x8e: {  	[smem:$0x3FC6] =	sst s2  }
0x8f: {  	_ = 	snop  }
0x90: {  	s2 =	sld [smem:$0x3FD0];
	_ =	sdelay $0x2  }
0x91: {  	s15 =	simm.s32 $0xA;
	s4 =	simm.s32 $0x10  }
0x92: {  	[smem:s4], [sflag:s15] =	dma.local [hbm:s2], $0x1  }
0x93: {  	_ =	swait.eq [sflag:s15], $0x1  }
0x94: {  	[sflag:s15] =	ssyncset.done $0x0  }
0x95: {  	s16 =	sld [smem:$0x10];
	[sflag:s15] =	ssyncadd.s32 $0xFFFFFFFF  }
0x96: {  	s17 =	sld [smem:$0x11];
	(tm) =	ssettm $0x1  }
0x97: {  	s18 =	sld [smem:$0x3FFB];
	_ =	sdelay $0x3  }
0x98: {  	_ =	strace s18  }
0x99: {  	s4 =	sld [smem:$0x3FFC];
	_ =	sdelay $0x3  }
0x9a: {  	_ =	strace s4  }
0x9b: {  	s4 =	sld [smem:$0x3FFD];
	_ =	sdelay $0x3  }
0x9c: {  	_ =	strace s4  }
0x9d: {  	_ =	strace $0x8FFFFFFF  }
0x9e: {  	s19 =	sld [smem:$0x3FDB];
	_ =	sdelay $0x1  }
0x9f: {  	s5 =	simm.s32 $_scs_section_size  }
0xa0: {  	s6 =	simm.s32 $_size__tile_overlayer_lowered;
	s7 =	simm.s32 $_tile_overlayer_lowered  }
0xa1: {  	s22 =	simm.s32 $0x1BFF;
	s21 =	sshll.u32 s7, $0x1;
	s4 =	sadd.s32 s5, s19  }
0xa2: {  	s8 =	simm.s32 $0x0;
	s20 =	sshll.u32 s6, $0x1;
	s6 =	sadd.s32 s21, s4  }
0xa3: {  	[timem:s8], [sflag:s22] =	dma.local [hbm:s6], s20  }
0xa4: {  	_ =	swait.ge [sflag:s22], s20  }
0xa5: {  	s5 =	ssub.s32 $0x0, s20;
	[sflag:s22] =	ssyncset.done $0x0  }
0xa6: {  	[sflag:s22] =	ssyncadd.s32 s5;
	_ =	sdelay $0x1  }
0xa7: {  	s23 =	simm.s32 $0x1B8B  }
0xa8: {  	_ =	swait.ge [sflag:s23], $0x1  }
0xa9: {  	[sflag:s23] =	ssyncset.done $0x0  }
0xaa: {  	s25 =	simm.s32 $0x1B8E;
	s24 =	sld [smem:$0x3FFE];
	[sflag:s23] =	ssyncadd.s32 $0xFFFFFFFF  }
0xab: {  	s26 =	simm.s32 $execute0_lowered;
	[smem:$0x3FD2] =	sst s25  }
0xac: {  	s6 =	sshll.u32 s26, $0x1;
	_ =	strace $0x80000046;
	[dreg:$0x1] =	wrdreg $0xFFFFFFFF  }
0xad: {  	s28 =	simm.s32 $_size_execute0_lowered;
	s4 =	sadd.s32 s4, s6;
	[dreg:$0x0] =	wrdreg $0x0  }
0xae: {  	s6 =	sshll.u32 s28, $0x1;
	[dreg:$0x2] =	wrdreg s4  }
0xaf: {  	[dreg:$0x3] =	wrdreg s6  }
0xb0: {  	[dreg:$0x4] =	wrdreg $0xC0  }
0xb1: {  	_ =	task [dreg:s8], $0x5FFFF  }
0xb2: {  	[dreg:$0x1] =	wrdreg $0xFFFFFFFF  }
0xb3: {  	[dreg:$0x0] =	wrdreg $0x60  }
0xb4: {  	[dreg:$0x2] =	wrdreg s24  }
0xb5: {  	[dreg:$0x3] =	wrdreg s16  }
0xb6: {  	[dreg:$0x4] =	wrdreg s17  }
0xb7: {  	[dreg:$0x5] =	wrdreg $0x9  }
0xb8: {  	_ =	task.clear_ibuf [dreg:s8], $0x6FFFF;
	_ =	strace $0x90000046  }
0xb9: {  	s29 =	simm.s32 $0x9;
	_ =	strace $0x80000048  }
0xba: {  	_ =	swait.ge [sflag:s29], $0x1  }
0xbb: {  	[sflag:s29] =	ssyncadd.s32 $0xFFFFFFFF  }
0xbc: {  	_ =	strace $0x90000048  }
0xbd: {  	_ =	sfence  }
0xbe: {  	s30 =	sld [smem:$0x0];
	_ =	sdelay $0x2  }
0xbf: {  	s31 =	sshll.u32 s1, $0xD;
	s1 =	sshrl.u32 s1, $0x2  }
0xc0: {  	s3 =	sand.u32 $0x4000, s31;
	s1 =	sadd.s32 s1, s30  }
0xc1: {  	s0 =	sor.u32 s3, s0;
	s1 =	sshll.u32 s1, $0x11  }
0xc2: {  	s0 =	sor.u32 s1, s0  }
0xc3: {  	s0 =	sadd.s32 $0x8F2B, s0  }
0xc4: {  	[sflag:s0] =	ssyncadd.remote.s32 $0x1  }
0xc5: {  	_ =	sfence.sel $0xFFFF  }
0xc6: {  	[dreg:$0x0] =	wrdreg $0xFFFFFFFF;
	(pc) =	sbr.abs _section_cstart, $3  }
0xc7: {  	[dreg:$0x1] =	wrdreg $0xFFFFFFFF  }
0xc8: {  	_ =	task.clear_ibuf [dreg:s8], $0x2FFFF;
	_ =	strace $0x9FFFFFFF  }
0xc9: {  	(tm) =	ssettm $0x7FFFFFFF  }
tec
execute0_lowered:
.L_overlay_start_1:
0x0: {  	(tag) =	ssettag $0x1  }
0x1: {  	s0 =	rddreg [dreg:$0x0]  }
0x2: {  	s1 =	rddreg [dreg:$0x1];
	s2 =	srdreg.scid  }
0x3: {  	s5 =	stileid.u32;
	s8 =	rddreg [dreg:$0x2]  }
0x4: {  	s13 =	simm.s32 $0x1;
	s16 =	simm.s32 $0x80;
	s17 =	simm.s32 $0x400  }
0x5: {  	s18 =	simm.s32 $0x480;
	s19 =	simm.s32 $0x1480;
	s20 =	simm.s32 $0x2480  }
0x6: {  	s21 =	simm.s32 $0x3480;
	s22 =	simm.s32 $0x4480;
	s23 =	simm.s32 $0x4600  }
0x7: {  	s24 =	simm.s32 $0x0;
	s3 =	sand.u32 $0x1, s2;
	s4 =	sshll.u32 s5, $0x1  }
0x8: {  	s2 =	simm.s32 $0x0;
	s5 =	sshll.u32 s5, $0x3;
	s4 =	sor.u32 s3, s4  }
0x9: {  	[smem:$0x7FF] =	sst s2;
	s3 =	ssub.s32 $0x2, s3;
	s9 =	sand.u32 $0x70, s5  }
0xa: {  	s4 =	smul.u32 $0x28, s4;
	_ =	strace $0x80000047;
	s31 =	sshrl.u32 s3, $0x1  }
0xb: {  	s6 =	sadd.s32 s0, s9;
	s7 =	sadd.s32 s1, s9;
	s8 =	sadd.s32 s8, s9  }
0xc: {  	s12 =	ssub.s32 s3, s31;
	s9 =	sadd.s32 $0x1000, s6;
	s11 =	sadd.s32 s4, s0  }
0xd: {  	s12 =	smax.u32 s12, $0x1;
	s3 =	sadd.s32 $0x2C00, s11;
	s4 =	sadd.s32 $0x2600, s11  }
0xe: {  	s5 =	sadd.s32 $0x2000, s11;
	s10 =	sadd.s32 $0x3200, s11;
	s11 =	sadd.s32 $0x3800, s11  }
.LBB2_1:
0xf: {  	[tilespmem:s2], [sflag:$0x1] =	stream.linear.gather [hbm4b:s3+s2], $0x140, $0x38;
	[tilespmem:$0x4780] =	vst v63  }
0x10: {  	_ =	swait.ge [sflag:s13], $0x140  }
0x11: {  	[sflag:s13] =	ssyncset.done $0x0  }
0x12: {  	s0 =	simm.s32 $0x180;
	[sflag:s13] =	ssyncadd.s32 $0xFFFFFEC0  }
0x13: {  	[tilespmem:s0], [sflag:$0x1] =	stream.linear.gather [hbm4b:s4+s2], $0x140, $0x38;
	[tilespmem:$0x4780] =	vst v63  }
0x14: {  	_ =	swait.ge [sflag:s13], $0x140  }
0x15: {  	[sflag:s13] =	ssyncset.done $0x0  }
0x16: {  	s31 =	simm.s32 $0x300;
	[sflag:s13] =	ssyncadd.s32 $0xFFFFFEC0  }
0x17: {  	[tilespmem:s31], [sflag:$0x1] =	stream.linear.gather [hbm4b:s5+s2], $0x140, $0x38;
	[tilespmem:$0x4780] =	vst v63  }
0x18: {  	_ =	swait.ge [sflag:s13], $0x140  }
0x19: {  	[sflag:s13] =	ssyncset.done $0x0  }
0x1a: {  	[sflag:s13] =	ssyncadd.s32 $0xFFFFFEC0  }
0x1b: {  	[tilespmem:s18], [sflag:$0x1] =	stream.strided.gather [hbm4b:s6+s16], $0x1000, s17, s16, $0x38;
	[tilespmem:$0x4780] =	vst v63  }
0x1c: {  	_ =	swait.ge [sflag:s13], $0x1000  }
0x1d: {  	[sflag:s13] =	ssyncset.done $0x0  }
0x1e: {  	[sflag:s13] =	ssyncadd.s32 $0xFFFFF000  }
0x1f: {  	[tilespmem:s19], [sflag:$0x1] =	stream.strided.gather [hbm4b:s7+s16], $0x1000, s17, s16, $0x38;
	[tilespmem:$0x4780] =	vst v63  }
0x20: {  	_ =	swait.ge [sflag:s13], $0x1000  }
0x21: {  	[sflag:s13] =	ssyncset.done $0x0  }
0x22: {  	[sflag:s13] =	ssyncadd.s32 $0xFFFFF000  }
0x23: {  	[tilespmem:s20], [sflag:$0x1] =	stream.strided.gather [hbm4b:s8+s16], $0x1000, s17, s16, $0x38;
	[tilespmem:$0x4780] =	vst v63  }
0x24: {  	_ =	swait.ge [sflag:s13], $0x1000  }
0x25: {  	[sflag:s13] =	ssyncset.done $0x0  }
0x26: {  	[sflag:s13] =	ssyncadd.s32 $0xFFFFF000  }
0x27: {  	[tilespmem:s21], [sflag:$0x1] =	stream.strided.gather [hbm4b:s9+s16], $0x1000, s17, s16, $0x38;
	[tilespmem:$0x4780] =	vst v63  }
0x28: {  	_ =	swait.ge [sflag:s13], $0x1000  }
0x29: {  	[sflag:s13] =	ssyncset.done $0x0  }
0x2a: {  	s25 =	simm.s32 $0x0;
	[sflag:s13] =	ssyncadd.s32 $0xFFFFF000  }
.LBB2_2:
0x2b: {  	s26 =	sshll.u32 s25, $0x6  }
0x2c: {  	v9 =	vld [tilespmem:s26+$0x0]  }
0x2d: {  	v10 =	vld [tilespmem:s26+$0x180]  }
0x2e: {  	v11 =	vld [tilespmem:s26+$0x300]  }
0x2f: {  	v7 =	vld [tilespmem:s26+$0x10]  }
0x30: {  	v8 =	vld [tilespmem:s26+$0x190]  }
0x31: {  	v2 =	vld [tilespmem:s26+$0x310]  }
0x32: {  	v3 =	vld [tilespmem:s26+$0x20]  }
0x33: {  	v4 =	vld [tilespmem:s26+$0x1A0]  }
0x34: {  	v1 =	vld [tilespmem:s26+$0x320]  }
0x35: {  	v13 =	vimm.f32 $3.000000010e+38;
	v12 =	vimm.s32 $0x0;
	v0 =	vld [tilespmem:s26+$0x30]  }
0x36: {  	v14 =	vimm.s32 $0x0;
	v16 =	vimm.s32 $0x0;
	v17 =	vimm.s32 $0x0;
	s31 =	simm.s32 $0xF;
	v5 =	vld [tilespmem:s26+$0x1B0]  }
0x37: {  	v15 =	vimm.f32 $3.000000010e+38;
	v18 =	vimm.f32 $3.000000010e+38;
	v19 =	vimm.f32 $3.000000010e+38;
	s29 =	sor.u32 $0x10, s26;
	s30 =	sor.u32 $0x20, s26;
	s28 =	sor.u32 $0x30, s26;
	v6 =	vld [tilespmem:s26+$0x330]  }
.LBB2_3:
0x38: {  	s14 =	sadd.s32 $0xFFFFFFF1, s31  }
0x39: {  	v20 =	vmov s14;
	_ =	sdelay $0x4  }
0x3a: {  	s0 =	sadd.s32 $0xFFFFFFF2, s31;
	v21 =	vld.idx.msk [tilespmem:v20+s18+$0x0], $0xffff  }
0x3b: {  	v26 =	vmov s0;
	v22 =	vld.idx.msk [tilespmem:v20+s19+$0x0], $0xffff  }
0x3c: {  	v23 =	vld.idx.msk [tilespmem:v20+s21+$0x0], $0xffff  }
0x3d: {  	v20 =	vld.idx.msk [tilespmem:v20+s20+$0x0], $0xffff;
	_ =	sdelay $0x2  }
0x3e: {  	s1 =	sadd.s32 $0xFFFFFFF3, s31;
	v45 =	vld.idx.msk [tilespmem:v26+s18+$0x0], $0xffff;
	v24 =	vmul.f32 v21, v9  }
0x3f: {  	v31 =	vmov s1;
	v46 =	vld.idx.msk [tilespmem:v26+s19+$0x0], $0xffff;
	v25 =	vmul.f32 v21, v7;
	v27 =	vmul.f32 v22, v10  }
0x40: {  	v28 =	vmul.f32 v22, v8;
	v43 =	vmul.f32 v20, v11  }
0x41: {  	v49 =	vld.idx.msk [tilespmem:v26+s20+$0x0], $0xffff;
	v44 =	vmul.f32 v20, v2;
	v29 =	vmul.f32 v21, v3  }
0x42: {  	v48 =	vmul.f32 v22, v4;
	v21 =	vmul.f32 v21, v0  }
0x43: {  	v50 =	vmul.f32 v45, v9;
	v51 =	vmul.f32 v20, v1  }
0x44: {  	v63 =	vld.idx.msk [tilespmem:v31+s18+$0x0], $0xffff;
	v22 =	vmul.f32 v22, v5;
	v53 =	vmul.f32 v46, v10  }
0x45: {  	v54 =	vmul.f32 v45, v7;
	v20 =	vmul.f32 v20, v6  }
0x46: {  	v32 =	vld.idx.msk [tilespmem:v31+s19+$0x0], $0xffff;
	v56 =	vmul.f32 v49, v11;
	v58 =	vmul.f32 v46, v8  }
0x47: {  	v30 =	vld.idx.msk [tilespmem:v26+s21+$0x0], $0xffff;
	v59 =	vmul.f32 v45, v3;
	v61 =	vmul.f32 v49, v2  }
0x48: {  	s15 =	sadd.s32 $0xFFFFFFF4, s31;
	v62 =	vmul.f32 v46, v4;
	v33 =	vmul.f32 v49, v1  }
0x49: {  	v40 =	vmov s15;
	v36 =	vld.idx.msk [tilespmem:v31+s20+$0x0], $0xffff;
	v35 =	vmul.f32 v45, v0;
	v37 =	vmul.f32 v63, v9  }
0x4a: {  	v34 =	vld.idx.msk [tilespmem:v31+s21+$0x0], $0xffff;
	v38 =	vmul.f32 v46, v5;
	v24 =	vadd.f32 v23, v24;
	v25 =	vadd.f32 v23, v25  }
0x4b: {  	v39 =	vmul.f32 v32, v10;
	v47 =	vadd.f32 v23, v29;
	v21 =	vadd.f32 v23, v21  }
0x4c: {  	v41 =	vmul.f32 v49, v6;
	v52 =	vadd.f32 v30, v50;
	v57 =	vadd.f32 v30, v54  }
0x4d: {  	v50 =	vmul.f32 v63, v0;
	v24 =	vadd.f32 v24, v27;
	v25 =	vadd.f32 v25, v28  }
0x4e: {  	v42 =	vmul.f32 v36, v11;
	v21 =	vadd.f32 v21, v22;
	v55 =	vadd.f32 v52, v53  }
0x4f: {  	v45 =	vmul.f32 v36, v2;
	v60 =	vadd.f32 v57, v58;
	v53 =	vadd.f32 v34, v50  }
0x50: {  	v46 =	vmul.f32 v32, v4;
	v24 =	vadd.f32 v24, v43;
	v25 =	vadd.f32 v25, v44  }
0x51: {  	v49 =	vmul.f32 v36, v1;
	v20 =	vadd.f32 v21, v20;
	v22 =	vadd.f32 v55, v56  }
0x52: {  	v54 =	vmul.f32 v32, v5;
	v21 =	vadd.f32 v30, v59;
	v23 =	vadd.f32 v60, v61  }
0x53: {  	v43 =	vmul.f32 v32, v8;
	v44 =	vmul.f32 v63, v3;
	vm0 =	vlt.f32 v24, v19  }
0x54: {  	vm10 =	vlt.f32 v25, v18;
	vm12 =	vlt.f32 v20, v13;
	v21 =	vadd.f32 v21, v62  }
0x55: {  	v19 =	vsel vm0, v24, v19;
	v17 =	vsel vm0, s14, v17;
	v18 =	vsel vm10, v25, v18  }
0x56: {  	v16 =	vsel vm10, s14, v16;
	v24 =	vadd.f32 v47, v48;
	v13 =	vsel vm12, v20, v13  }
0x57: {  	v12 =	vsel vm12, s14, v12;
	v47 =	vld.idx.msk [tilespmem:v40+s18+$0x0], $0xffff;
	vm1 =	vlt.f32 v22, v19;
	v20 =	vadd.f32 v21, v33  }
0x58: {  	v48 =	vld.idx.msk [tilespmem:v40+s19+$0x0], $0xffff;
	vm13 =	vlt.f32 v23, v18;
	v21 =	vadd.f32 v30, v35;
	v24 =	vadd.f32 v24, v51  }
0x59: {  	v19 =	vsel vm1, v22, v19;
	v18 =	vsel vm13, v23, v18;
	v23 =	vadd.f32 v34, v37  }
0x5a: {  	v17 =	vsel vm1, s0, v17;
	v16 =	vsel vm13, s0, v16;
	v22 =	vmul.f32 v36, v6  }
0x5b: {  	v21 =	vadd.f32 v21, v38;
	vm11 =	vlt.f32 v24, v15;
	v23 =	vadd.f32 v23, v39  }
0x5c: {  	v15 =	vsel vm11, v24, v15;
	v14 =	vsel vm11, s14, v14;
	v55 =	vmul.f32 v47, v9  }
0x5d: {  	v51 =	vld.idx.msk [tilespmem:v40+s21+$0x0], $0xffff;
	v21 =	vadd.f32 v21, v41;
	v57 =	vmul.f32 v48, v10;
	v58 =	vmul.f32 v47, v7  }
0x5e: {  	v24 =	vadd.f32 v34, v44;
	v61 =	vmul.f32 v47, v3;
	v33 =	vmul.f32 v48, v4  }
0x5f: {  	s14 =	sadd.s32 $0xFFFFFFF5, s31;
	v37 =	vmul.f32 v47, v0;
	vm14 =	vlt.f32 v20, v15;
	v23 =	vadd.f32 v23, v42  }
0x60: {  	v59 =	vmov s14;
	v15 =	vsel vm14, v20, v15;
	v20 =	vmul.f32 v63, v7  }
0x61: {  	v14 =	vsel vm14, s0, v14;
	vm15 =	vlt.f32 v21, v13;
	v24 =	vadd.f32 v24, v46  }
0x62: {  	v56 =	vadd.f32 v51, v55;
	v63 =	vmul.f32 v48, v8;
	v25 =	vadd.f32 v51, v61  }
0x63: {  	v13 =	vsel vm15, v21, v13;
	vm4 =	vlt.f32 v23, v19;
	v20 =	vadd.f32 v34, v20  }
0x64: {  	v12 =	vsel vm15, s0, v12;
	v21 =	vmul.f32 v48, v5;
	v52 =	vadd.f32 v24, v49  }
0x65: {  	v19 =	vsel vm4, v23, v19;
	v24 =	vadd.f32 v53, v54;
	v20 =	vadd.f32 v20, v43;
	v36 =	vld.idx.msk [tilespmem:v59+s18+$0x0], $0xffff  }
0x66: {  	v17 =	vsel vm4, s1, v17;
	v60 =	vadd.f32 v56, v57;
	v23 =	vadd.f32 v51, v58;
	v38 =	vld.idx.msk [tilespmem:v59+s19+$0x0], $0xffff  }
0x67: {  	vm6 =	vlt.f32 v52, v15;
	v22 =	vadd.f32 v24, v22;
	v20 =	vadd.f32 v20, v45  }
0x68: {  	s0 =	sadd.s32 $0xFFFFFFF6, s31;
	v25 =	vadd.f32 v25, v33;
	v23 =	vadd.f32 v23, v63;
	v15 =	vsel vm6, v52, v15  }
0x69: {  	v39 =	vld.idx.msk [tilespmem:v59+s21+$0x0], $0xffff;
	vm7 =	vlt.f32 v22, v13;
	v45 =	vmov s0;
	vm5 =	vlt.f32 v20, v18  }
0x6a: {  	v14 =	vsel vm6, s1, v14;
	v13 =	vsel vm7, v22, v13;
	v18 =	vsel vm5, v20, v18;
	v20 =	vld.idx.msk [tilespmem:v40+s20+$0x0], $0xffff  }
0x6b: {  	v12 =	vsel vm7, s1, v12;
	v41 =	vmul.f32 v36, v9;
	v43 =	vmul.f32 v38, v10  }
0x6c: {  	v22 =	vadd.f32 v51, v37;
	v40 =	vld.idx.msk [tilespmem:v59+s20+$0x0], $0xffff;
	v44 =	vmul.f32 v36, v7;
	v47 =	vmul.f32 v38, v8  }
0x6d: {  	v16 =	vsel vm5, s1, v16;
	v48 =	vmul.f32 v36, v3;
	v50 =	vmul.f32 v36, v0  }
0x6e: {  	v21 =	vadd.f32 v22, v21;
	v51 =	vmul.f32 v38, v4;
	v54 =	vmul.f32 v38, v5;
	s1 =	sadd.s32 $0xFFFFFFF7, s31;
	v52 =	vld.idx.msk [tilespmem:v45+s18+$0x0], $0xffff  }
0x6f: {  	v63 =	vmov s1;
	v42 =	vadd.f32 v39, v41;
	v58 =	vld.idx.msk [tilespmem:v45+s19+$0x0], $0xffff;
	v62 =	vmul.f32 v20, v11  }
0x70: {  	v22 =	vadd.f32 v39, v48;
	v34 =	vmul.f32 v20, v2;
	v35 =	vmul.f32 v20, v1  }
0x71: {  	v53 =	vadd.f32 v39, v50;
	v20 =	vmul.f32 v20, v6;
	v46 =	vmul.f32 v40, v11  }
0x72: {  	v55 =	vadd.f32 v22, v51;
	v49 =	vmul.f32 v40, v2;
	v56 =	vmul.f32 v40, v1  }
0x73: {  	v24 =	vadd.f32 v60, v62;
	v23 =	vadd.f32 v23, v34;
	v61 =	vmul.f32 v52, v9  }
0x74: {  	v25 =	vadd.f32 v25, v35;
	v62 =	vmul.f32 v52, v7;
	v33 =	vmul.f32 v58, v10  }
0x75: {  	v20 =	vadd.f32 v21, v20;
	v34 =	vmul.f32 v58, v8;
	v35 =	vmul.f32 v52, v3  }
0x76: {  	v21 =	vadd.f32 v42, v43;
	v38 =	vmul.f32 v58, v4;
	v26 =	vmul.f32 v58, v5  }
0x77: {  	vm8 =	vlt.f32 v24, v19;
	vm9 =	vlt.f32 v23, v18;
	vm10 =	vlt.f32 v25, v15  }
0x78: {  	v41 =	vld.idx.msk [tilespmem:v63+s19+$0x0], $0xffff;
	vm11 =	vlt.f32 v20, v13;
	v21 =	vadd.f32 v21, v46;
	v19 =	vsel vm8, v24, v19  }
0x79: {  	v57 =	vld.idx.msk [tilespmem:v45+s21+$0x0], $0xffff;
	v17 =	vsel vm8, s15, v17;
	v18 =	vsel vm9, v23, v18;
	v16 =	vsel vm9, s15, v16  }
0x7a: {  	v60 =	vld.idx.msk [tilespmem:v45+s20+$0x0], $0xffff;
	v15 =	vsel vm10, v25, v15;
	v14 =	vsel vm10, s15, v14;
	v13 =	vsel vm11, v20, v13  }
0x7b: {  	v20 =	vadd.f32 v39, v44;
	v12 =	vsel vm11, s15, v12;
	v23 =	vadd.f32 v53, v54  }
0x7c: {  	v45 =	vld.idx.msk [tilespmem:v63+s20+$0x0], $0xffff;
	v24 =	vmul.f32 v40, v6;
	v40 =	vmul.f32 v52, v0;
	vm12 =	vlt.f32 v21, v19  }
0x7d: {  	v48 =	vmul.f32 v41, v10;
	v54 =	vmul.f32 v41, v8;
	v20 =	vadd.f32 v20, v47  }
0x7e: {  	v19 =	vsel vm12, v21, v19;
	v17 =	vsel vm12, s14, v17;
	v59 =	vadd.f32 v23, v24  }
0x7f: {  	v24 =	vadd.f32 v57, v62;
	v36 =	vmul.f32 v60, v11;
	v37 =	vmul.f32 v60, v2  }
0x80: {  	v39 =	vld.idx.msk [tilespmem:v63+s18+$0x0], $0xffff;
	v21 =	vadd.f32 v57, v35;
	v42 =	vmul.f32 v60, v1;
	v23 =	vadd.f32 v57, v40  }
0x81: {  	s15 =	sadd.s32 $0xFFFFFFF9, s31;
	v22 =	vmul.f32 v60, v6;
	v50 =	vmul.f32 v45, v11;
	v20 =	vadd.f32 v20, v49  }
0x82: {  	v40 =	vmov s15;
	vm15 =	vlt.f32 v59, v13;
	v24 =	vadd.f32 v24, v34  }
0x83: {  	v21 =	vadd.f32 v21, v38;
	v44 =	vadd.f32 v23, v26;
	vm13 =	vlt.f32 v20, v18  }
0x84: {  	v43 =	vld.idx.msk [tilespmem:v63+s21+$0x0], $0xffff;
	v23 =	vmul.f32 v45, v6;
	v18 =	vsel vm13, v20, v18;
	v20 =	vadd.f32 v55, v56  }
0x85: {  	v13 =	vsel vm15, v59, v13;
	v12 =	vsel vm15, s14, v12;
	v46 =	vmul.f32 v39, v9  }
0x86: {  	v49 =	vmul.f32 v39, v7;
	v16 =	vsel vm13, s14, v16;
	vm14 =	vlt.f32 v20, v15  }
0x87: {  	v15 =	vsel vm14, v20, v15;
	v20 =	vadd.f32 v57, v61;
	v14 =	vsel vm14, s14, v14;
	s14 =	sadd.s32 $0xFFFFFFF8, s31  }
0x88: {  	v51 =	vmul.f32 v39, v3;
	v24 =	vadd.f32 v24, v37;
	v52 =	vmov s14  }
0x89: {  	v58 =	vmul.f32 v39, v0;
	v47 =	vadd.f32 v43, v46;
	v20 =	vadd.f32 v20, v33  }
0x8a: {  	v59 =	vmul.f32 v45, v1;
	v53 =	vadd.f32 v43, v49;
	v55 =	vadd.f32 v43, v51;
	v49 =	vld.idx.msk [tilespmem:v40+s19+$0x0], $0xffff  }
0x8b: {  	v56 =	vmul.f32 v41, v4;
	vm5 =	vlt.f32 v24, v18;
	v20 =	vadd.f32 v20, v36  }
0x8c: {  	v60 =	vadd.f32 v43, v58;
	v18 =	vsel vm5, v24, v18;
	v16 =	vsel vm5, s0, v16  }
0x8d: {  	v24 =	vadd.f32 v55, v56;
	v61 =	vmul.f32 v41, v5;
	vm4 =	vlt.f32 v20, v19;
	v62 =	vld.idx.msk [tilespmem:v52+s18+$0x0], $0xffff  }
0x8e: {  	v19 =	vsel vm4, v20, v19;
	v20 =	vadd.f32 v21, v42;
	v21 =	vadd.f32 v44, v22  }
0x8f: {  	v57 =	vmul.f32 v45, v2;
	v33 =	vmul.f32 v49, v4;
	v63 =	vld.idx.msk [tilespmem:v52+s19+$0x0], $0xffff;
	v17 =	vsel vm4, s0, v17  }
0x90: {  	v37 =	vld.idx.msk [tilespmem:v52+s20+$0x0], $0xffff;
	v22 =	vadd.f32 v60, v61;
	vm6 =	vlt.f32 v20, v15;
	vm7 =	vlt.f32 v21, v13  }
0x91: {  	v36 =	vld.idx.msk [tilespmem:v52+s21+$0x0], $0xffff;
	v60 =	vmul.f32 v49, v5;
	v15 =	vsel vm6, v20, v15;
	v13 =	vsel vm7, v21, v13  }
0x92: {  	v52 =	vld.idx.msk [tilespmem:v40+s20+$0x0], $0xffff;
	v21 =	vadd.f32 v53, v54;
	v54 =	vmul.f32 v49, v10;
	v38 =	vmul.f32 v62, v9  }
0x93: {  	v14 =	vsel vm6, s0, v14;
	v39 =	vmul.f32 v62, v7;
	v41 =	vmul.f32 v62, v3  }
0x94: {  	v20 =	vadd.f32 v47, v48;
	v42 =	vmul.f32 v63, v10;
	v43 =	vmul.f32 v63, v8  }
0x95: {  	v12 =	vsel vm7, s0, v12;
	v44 =	vmul.f32 v63, v4;
	v45 =	vmul.f32 v37, v11  }
0x96: {  	v47 =	vld.idx.msk [tilespmem:v40+s18+$0x0], $0xffff;
	v28 =	vmul.f32 v62, v0;
	v46 =	vmul.f32 v37, v2;
	v20 =	vadd.f32 v20, v50  }
0x97: {  	v48 =	vmul.f32 v37, v1;
	v58 =	vmul.f32 v52, v11;
	v21 =	vadd.f32 v21, v57  }
0x98: {  	v62 =	vmul.f32 v52, v2;
	v27 =	vadd.f32 v36, v41;
	vm8 =	vlt.f32 v20, v19  }
0x99: {  	v25 =	vadd.f32 v36, v28;
	vm9 =	vlt.f32 v21, v18;
	v19 =	vsel vm8, v20, v19  }
0x9a: {  	v51 =	vld.idx.msk [tilespmem:v40+s21+$0x0], $0xffff;
	v20 =	vadd.f32 v24, v59;
	v17 =	vsel vm8, s1, v17;
	v24 =	vmul.f32 v63, v5  }
0x9b: {  	v18 =	vsel vm9, v21, v18;
	v21 =	vmul.f32 v37, v6;
	v53 =	vmul.f32 v47, v9  }
0x9c: {  	v27 =	vadd.f32 v27, v44;
	v55 =	vmul.f32 v47, v7;
	v57 =	vmul.f32 v47, v3  }
0x9d: {  	v16 =	vsel vm9, s1, v16;
	v31 =	vmul.f32 v47, v0;
	v59 =	vmul.f32 v49, v8  }
0x9e: {  	vm10 =	vlt.f32 v20, v15;
	v27 =	vadd.f32 v27, v48;
	v24 =	vadd.f32 v25, v24  }
0x9f: {  	v25 =	vadd.f32 v51, v53;
	v29 =	vadd.f32 v51, v55;
	v15 =	vsel vm10, v20, v15  }
0xa0: {  	v20 =	vadd.f32 v22, v23;
	v14 =	vsel vm10, s1, v14;
	v22 =	vadd.f32 v36, v38  }
0xa1: {  	v23 =	vadd.f32 v36, v39;
	v36 =	vmul.f32 v52, v1;
	vm13 =	vlt.f32 v27, v15  }
0xa2: {  	v21 =	vadd.f32 v24, v21;
	v61 =	vadd.f32 v29, v59;
	vm11 =	vlt.f32 v20, v13  }
0xa3: {  	v24 =	vmul.f32 v52, v6;
	v22 =	vadd.f32 v22, v42;
	v12 =	vsel vm11, s1, v12;
	s1 =	sadd.s32 $0xFFFFFFFA, s31  }
0xa4: {  	v23 =	vadd.f32 v23, v43;
	v14 =	vsel vm13, s14, v14;
	v56 =	vmov s1  }
0xa5: {  	v15 =	vsel vm13, v27, v15;
	v13 =	vsel vm11, v20, v13;
	v20 =	vadd.f32 v22, v45  }
0xa6: {  	v50 =	vadd.f32 v23, v46;
	vm2 =	vlt.f32 v21, v13;
	v23 =	vadd.f32 v51, v31  }
0xa7: {  	v38 =	vadd.f32 v61, v62;
	v12 =	vsel vm2, s14, v12;
	v13 =	vsel vm2, v21, v13  }
0xa8: {  	vm3 =	vlt.f32 v20, v19;
	vm12 =	vlt.f32 v50, v18;
	v23 =	vadd.f32 v23, v60  }
0xa9: {  	v17 =	vsel vm3, s14, v17;
	v19 =	vsel vm3, v20, v19;
	v20 =	vadd.f32 v25, v54;
	v63 =	vld.idx.msk [tilespmem:v56+s18+$0x0], $0xffff  }
0xaa: {  	v16 =	vsel vm12, s14, v16;
	v25 =	vadd.f32 v51, v57;
	v18 =	vsel vm12, v50, v18;
	v37 =	vld.idx.msk [tilespmem:v56+s19+$0x0], $0xffff  }
0xab: {  	s14 =	sadd.s32 $0xFFFFFFFC, s31;
	v23 =	vadd.f32 v23, v24;
	vm15 =	vlt.f32 v38, v18;
	v20 =	vadd.f32 v20, v58;
	v40 =	vld.idx.msk [tilespmem:v56+s20+$0x0], $0xffff  }
0xac: {  	v60 =	vmov s14;
	v25 =	vadd.f32 v25, v33;
	v16 =	vsel vm15, s15, v16  }
0xad: {  	v18 =	vsel vm15, v38, v18;
	vm7 =	vlt.f32 v23, v13;
	vm14 =	vlt.f32 v20, v19  }
0xae: {  	v25 =	vadd.f32 v25, v36;
	v12 =	vsel vm7, s15, v12;
	v17 =	vsel vm14, s15, v17  }
0xaf: {  	v39 =	vld.idx.msk [tilespmem:v56+s21+$0x0], $0xffff;
	v19 =	vsel vm14, v20, v19;
	v41 =	vmul.f32 v63, v9;
	v42 =	vmul.f32 v37, v10  }
0xb0: {  	vm6 =	vlt.f32 v25, v15;
	v20 =	vmul.f32 v63, v7;
	v45 =	vmul.f32 v40, v11  }
0xb1: {  	v14 =	vsel vm6, s15, v14;
	s15 =	sadd.s32 $0xFFFFFFFB, s31;
	v46 =	vmul.f32 v63, v3;
	v47 =	vmul.f32 v37, v8  }
0xb2: {  	v49 =	vmul.f32 v37, v4;
	v26 =	vmul.f32 v37, v5;
	v37 =	vld.idx.msk [tilespmem:v60+s18+$0x0], $0xffff;
	v43 =	vmov s15  }
0xb3: {  	v13 =	vsel vm7, v23, v13;
	v31 =	vmul.f32 v63, v0;
	v51 =	vmul.f32 v40, v2  }
0xb4: {  	v52 =	vmul.f32 v40, v1;
	v24 =	vadd.f32 v39, v41;
	v20 =	vadd.f32 v39, v20  }
0xb5: {  	v15 =	vsel vm6, v25, v15;
	v48 =	vadd.f32 v39, v46;
	v27 =	vadd.f32 v39, v31;
	v39 =	vld.idx.msk [tilespmem:v60+s19+$0x0], $0xffff  }
0xb6: {  	v21 =	vmul.f32 v40, v6;
	v44 =	vadd.f32 v24, v42;
	v20 =	vadd.f32 v20, v47  }
0xb7: {  	v24 =	vadd.f32 v48, v49;
	v54 =	vadd.f32 v27, v26;
	v46 =	vmul.f32 v37, v7;
	v50 =	vld.idx.msk [tilespmem:v43+s18+$0x0], $0xffff  }
0xb8: {  	v49 =	vmul.f32 v37, v3;
	v22 =	vadd.f32 v44, v45;
	v53 =	vld.idx.msk [tilespmem:v43+s19+$0x0], $0xffff;
	v20 =	vadd.f32 v20, v51  }
0xb9: {  	v30 =	vmul.f32 v37, v0;
	v55 =	vld.idx.msk [tilespmem:v43+s21+$0x0], $0xffff;
	v24 =	vadd.f32 v24, v52;
	v21 =	vadd.f32 v54, v21  }
0xba: {  	v56 =	vld.idx.msk [tilespmem:v43+s20+$0x0], $0xffff;
	v43 =	vmul.f32 v37, v9;
	v27 =	vmul.f32 v39, v5;
	vm1 =	vlt.f32 v22, v19  }
0xbb: {  	vm2 =	vlt.f32 v20, v18;
	vm8 =	vlt.f32 v24, v15;
	vm9 =	vlt.f32 v21, v13  }
0xbc: {  	v17 =	vsel vm1, s1, v17;
	v16 =	vsel vm2, s1, v16;
	v14 =	vsel vm8, s1, v14  }
0xbd: {  	v12 =	vsel vm9, s1, v12;
	v57 =	vmul.f32 v50, v9;
	v58 =	vmul.f32 v53, v10  }
0xbe: {  	v19 =	vsel vm1, v22, v19;
	v59 =	vmul.f32 v50, v7;
	v61 =	vmul.f32 v50, v3  }
0xbf: {  	v18 =	vsel vm2, v20, v18;
	v62 =	vmul.f32 v56, v11;
	v63 =	vmul.f32 v50, v0  }
0xc0: {  	v33 =	vmul.f32 v53, v8;
	v34 =	vmul.f32 v53, v4;
	v25 =	vadd.f32 v55, v57  }
0xc1: {  	v41 =	vld.idx.msk [tilespmem:v60+s21+$0x0], $0xffff;
	v35 =	vmul.f32 v53, v5;
	v22 =	vadd.f32 v55, v59;
	v26 =	vadd.f32 v55, v63  }
0xc2: {  	v36 =	vmul.f32 v56, v2;
	v20 =	vadd.f32 v25, v58;
	v25 =	vadd.f32 v55, v61  }
0xc3: {  	v23 =	vmul.f32 v56, v6;
	v22 =	vadd.f32 v22, v33;
	v26 =	vadd.f32 v26, v35  }
0xc4: {  	v38 =	vmul.f32 v56, v1;
	v20 =	vadd.f32 v20, v62;
	v25 =	vadd.f32 v25, v34  }
0xc5: {  	v15 =	vsel vm8, v24, v15;
	v40 =	vadd.f32 v22, v36;
	v23 =	vadd.f32 v26, v23  }
0xc6: {  	v13 =	vsel vm9, v21, v13;
	v21 =	vadd.f32 v41, v46;
	v42 =	vadd.f32 v25, v38  }
0xc7: {  	vm10 =	vlt.f32 v20, v19;
	vm11 =	vlt.f32 v40, v18;
	vm13 =	vlt.f32 v23, v13  }
0xc8: {  	v19 =	vsel vm10, v20, v19;
	v17 =	vsel vm10, s15, v17;
	v20 =	vld.idx.msk [tilespmem:v60+s20+$0x0], $0xffff;
	vm12 =	vlt.f32 v42, v15  }
0xc9: {  	v16 =	vsel vm11, s15, v16;
	v12 =	vsel vm13, s15, v12;
	v14 =	vsel vm12, s15, v14;
	s15 =	sadd.s32 $0xFFFFFFFD, s31  }
0xca: {  	v50 =	vmul.f32 v39, v8;
	v22 =	vadd.f32 v41, v30;
	v45 =	vmov s15  }
0xcb: {  	v44 =	vmul.f32 v39, v10;
	v51 =	vadd.f32 v41, v49;
	v25 =	vadd.f32 v41, v43  }
0xcc: {  	v52 =	vmul.f32 v39, v4;
	v21 =	vadd.f32 v21, v50;
	v22 =	vadd.f32 v22, v27  }
0xcd: {  	v47 =	vadd.f32 v25, v44;
	v48 =	vmul.f32 v20, v11;
	v54 =	vmul.f32 v20, v2  }
0xce: {  	v25 =	vadd.f32 v51, v52;
	v55 =	vmul.f32 v20, v1;
	v20 =	vmul.f32 v20, v6  }
0xcf: {  	v18 =	vsel vm11, v40, v18;
	v24 =	vadd.f32 v47, v48;
	v21 =	vadd.f32 v21, v54;
	v53 =	vld.idx.msk [tilespmem:v45+s18+$0x0], $0xffff  }
0xd0: {  	v13 =	vsel vm13, v23, v13;
	v25 =	vadd.f32 v25, v55;
	v20 =	vadd.f32 v22, v20;
	v56 =	vld.idx.msk [tilespmem:v45+s19+$0x0], $0xffff  }
0xd1: {  	v15 =	vsel vm12, v42, v15;
	v58 =	vld.idx.msk [tilespmem:v45+s20+$0x0], $0xffff;
	vm14 =	vlt.f32 v24, v19;
	vm15 =	vlt.f32 v21, v18  }
0xd2: {  	vm1 =	vlt.f32 v25, v15;
	vm2 =	vlt.f32 v20, v13;
	v17 =	vsel vm14, s14, v17  }
0xd3: {  	v57 =	vld.idx.msk [tilespmem:v45+s21+$0x0], $0xffff;
	v16 =	vsel vm15, s14, v16;
	v14 =	vsel vm1, s14, v14;
	v12 =	vsel vm2, s14, v12;
	s14 =	sadd.s32 $0xFFFFFFFE, s31  }
0xd4: {  	v62 =	vmov s14  }
0xd5: {  	v19 =	vsel vm14, v24, v19;
	v59 =	vmul.f32 v53, v9;
	v60 =	vmul.f32 v56, v10  }
0xd6: {  	v18 =	vsel vm15, v21, v18;
	v61 =	vmul.f32 v53, v7;
	v63 =	vmul.f32 v58, v11  }
0xd7: {  	v15 =	vsel vm1, v25, v15;
	v33 =	vmul.f32 v53, v3;
	v34 =	vmul.f32 v56, v8  }
0xd8: {  	v29 =	vmul.f32 v53, v0;
	v36 =	vmul.f32 v56, v4;
	v24 =	vadd.f32 v57, v59  }
0xd9: {  	v37 =	vmul.f32 v56, v5;
	v21 =	vadd.f32 v57, v61;
	v35 =	vadd.f32 v57, v33;
	v40 =	vld.idx.msk [tilespmem:v62+s18+$0x0], $0xffff  }
0xda: {  	v38 =	vmul.f32 v58, v2;
	v23 =	vadd.f32 v57, v29;
	v41 =	vld.idx.msk [tilespmem:v62+s19+$0x0], $0xffff;
	v24 =	vadd.f32 v24, v60  }
0xdb: {  	v39 =	vmul.f32 v58, v1;
	v21 =	vadd.f32 v21, v34;
	v26 =	vadd.f32 v35, v36  }
0xdc: {  	v22 =	vmul.f32 v58, v6;
	v23 =	vadd.f32 v23, v37;
	v24 =	vadd.f32 v24, v63  }
0xdd: {  	v13 =	vsel vm2, v20, v13;
	v45 =	vld.idx.msk [tilespmem:v62+s20+$0x0], $0xffff;
	v21 =	vadd.f32 v21, v38;
	v26 =	vadd.f32 v26, v39  }
0xde: {  	v20 =	vadd.f32 v23, v22;
	v63 =	vmov s31;
	v43 =	vmul.f32 v40, v9  }
0xdf: {  	v42 =	vld.idx.msk [tilespmem:v62+s21+$0x0], $0xffff;
	vm4 =	vlt.f32 v24, v19;
	v44 =	vmul.f32 v40, v7;
	v46 =	vmul.f32 v41, v10  }
0xe0: {  	vm5 =	vlt.f32 v21, v18;
	v47 =	vmul.f32 v41, v8;
	v48 =	vmul.f32 v40, v3  }
0xe1: {  	vm6 =	vlt.f32 v26, v15;
	v51 =	vmul.f32 v40, v0;
	v53 =	vmul.f32 v41, v4  }
0xe2: {  	vm7 =	vlt.f32 v20, v13;
	v54 =	vmul.f32 v45, v11;
	v25 =	vmul.f32 v41, v5  }
0xe3: {  	v55 =	vmul.f32 v45, v2;
	v56 =	vmul.f32 v45, v1;
	v19 =	vsel vm4, v24, v19  }
0xe4: {  	v17 =	vsel vm4, s15, v17;
	v16 =	vsel vm5, s15, v16;
	v22 =	vadd.f32 v42, v43  }
0xe5: {  	v14 =	vsel vm6, s15, v14;
	v12 =	vsel vm7, s15, v12;
	s15 =	sadd.s32 $0xFFFFFFFF, s31;
	v23 =	vadd.f32 v42, v44  }
0xe6: {  	v49 =	vmov s15;
	v52 =	vadd.f32 v42, v48;
	v40 =	vld.idx.msk [tilespmem:v63+s18+$0x0], $0xffff;
	v50 =	vadd.f32 v22, v46  }
0xe7: {  	v18 =	vsel vm5, v21, v18;
	v43 =	vld.idx.msk [tilespmem:v63+s19+$0x0], $0xffff;
	v23 =	vadd.f32 v23, v47;
	v22 =	vadd.f32 v42, v51  }
0xe8: {  	v24 =	vmul.f32 v45, v6;
	v27 =	vadd.f32 v52, v53;
	v21 =	vadd.f32 v50, v54  }
0xe9: {  	v15 =	vsel vm6, v26, v15;
	v46 =	vld.idx.msk [tilespmem:v63+s21+$0x0], $0xffff;
	v22 =	vadd.f32 v22, v25;
	v23 =	vadd.f32 v23, v55  }
0xea: {  	v13 =	vsel vm7, v20, v13;
	v58 =	vadd.f32 v27, v56;
	v50 =	vld.idx.msk [tilespmem:v63+s20+$0x0], $0xffff;
	vm8 =	vlt.f32 v21, v19  }
0xeb: {  	v57 =	vld.idx.msk [tilespmem:v49+s18+$0x0], $0xffff;
	v20 =	vadd.f32 v22, v24;
	vm1 =	vlt.f32 v23, v18;
	v51 =	vmul.f32 v40, v9  }
0xec: {  	v59 =	vld.idx.msk [tilespmem:v49+s19+$0x0], $0xffff;
	vm2 =	vlt.f32 v58, v15;
	v53 =	vmul.f32 v43, v10;
	v54 =	vmul.f32 v40, v7  }
0xed: {  	v61 =	vld.idx.msk [tilespmem:v49+s20+$0x0], $0xffff;
	v55 =	vmul.f32 v40, v3;
	v17 =	vsel vm8, s14, v17;
	v16 =	vsel vm1, s14, v16  }
0xee: {  	v14 =	vsel vm2, s14, v14;
	v15 =	vsel vm2, v58, v15;
	v58 =	vmul.f32 v43, v8  }
0xef: {  	v19 =	vsel vm8, v21, v19;
	v56 =	vmul.f32 v50, v11;
	v63 =	vmul.f32 v50, v1  }
0xf0: {  	v60 =	vld.idx.msk [tilespmem:v49+s21+$0x0], $0xffff;
	v18 =	vsel vm1, v23, v18;
	v24 =	vmul.f32 v50, v6;
	v62 =	vmul.f32 v57, v9  }
0xf1: {  	vm9 =	vlt.f32 v20, v13;
	v33 =	vmul.f32 v57, v7;
	v35 =	vmul.f32 v59, v10  }
0xf2: {  	v52 =	vadd.f32 v46, v51;
	v36 =	vmul.f32 v59, v8;
	v37 =	vmul.f32 v61, v11  }
0xf3: {  	v12 =	vsel vm9, s14, v12;
	v38 =	vmul.f32 v57, v3;
	v39 =	vmul.f32 v61, v2  }
0xf4: {  	v13 =	vsel vm9, v20, v13;
	v25 =	vmul.f32 v57, v0;
	v42 =	vmul.f32 v59, v4  }
0xf5: {  	v45 =	vmul.f32 v59, v5;
	v47 =	vmul.f32 v61, v1;
	v34 =	vadd.f32 v60, v62  }
0xf6: {  	v57 =	vmul.f32 v40, v0;
	v20 =	vadd.f32 v60, v33;
	v41 =	vadd.f32 v60, v38  }
0xf7: {  	v48 =	vmul.f32 v61, v6;
	v44 =	vadd.f32 v60, v25;
	v23 =	vadd.f32 v34, v35  }
0xf8: {  	v61 =	vmul.f32 v43, v5;
	v60 =	vadd.f32 v46, v57;
	v20 =	vadd.f32 v20, v36  }
0xf9: {  	v59 =	vmul.f32 v43, v4;
	v26 =	vadd.f32 v41, v42;
	v23 =	vadd.f32 v23, v37  }
0xfa: {  	v62 =	vmul.f32 v50, v2;
	v22 =	vadd.f32 v60, v61;
	v20 =	vadd.f32 v20, v39  }
0xfb: {  	v21 =	vadd.f32 v44, v45;
	v49 =	vadd.f32 v26, v47;
	vm0 =	vlt.f32 v23, v19  }
0xfc: {  	v22 =	vadd.f32 v22, v24;
	vm1 =	vlt.f32 v20, v18;
	v19 =	vsel vm0, v23, v19  }
0xfd: {  	v18 =	vsel vm1, v20, v18;
	v20 =	vadd.f32 v21, v48;
	v23 =	vadd.f32 v46, v54  }
0xfe: {  	vm10 =	vlt.f32 v49, v15;
	v17 =	vsel vm0, s15, v17;
	v21 =	vadd.f32 v46, v55  }
0xff: {  	v15 =	vsel vm10, v49, v15;
	vm11 =	vlt.f32 v20, v13;
	v23 =	vadd.f32 v23, v58  }
0x100: {  	v21 =	vadd.f32 v21, v59;
	v13 =	vsel vm11, v20, v13;
	v20 =	vadd.f32 v52, v53  }
0x101: {  	p0 =	sne.s32 s31, $0xFFF;
	v16 =	vsel vm1, s15, v16;
	v12 =	vsel vm11, s15, v12;
	v23 =	vadd.f32 v23, v62  }
.Ltmp0:
0x102: {  	v21 =	vadd.f32 v21, v63;
	vm15 =	vlt.f32 v22, v13;
	v20 =	vadd.f32 v20, v56;
	(pc) =	sbr.rel @p0 .LBB2_3-.Ltmp0, $4  }
0x103: {  	v14 =	vsel vm10, s15, v14;
	v12 =	vsel vm15, s31, v12;
	v13 =	vsel vm15, v22, v13  }
0x104: {  	vm13 =	vlt.f32 v23, v18;
	vm14 =	vlt.f32 v21, v15;
	vm12 =	vlt.f32 v20, v19  }
0x105: {  	v16 =	vsel vm13, s31, v16;
	v14 =	vsel vm14, s31, v14;
	v18 =	vsel vm13, v23, v18  }
0x106: {  	v15 =	vsel vm14, v21, v15;
	v19 =	vsel vm12, v20, v19;
	v17 =	vsel vm12, s31, v17;
	s31 =	sadd.s32 $0x10, s31  }
0x107: {  	v9 =	vmul.f32 v9, v9;
	v10 =	vmul.f32 v10, v10  }
0x108: {  	v7 =	vmul.f32 v7, v7;
	v8 =	vmul.f32 v8, v8  }
0x109: {  	v11 =	vmul.f32 v11, v11;
	v2 =	vmul.f32 v2, v2;
	v9 =	vadd.f32 v10, v9  }
0x10a: {  	v3 =	vmul.f32 v3, v3;
	v4 =	vmul.f32 v4, v4;
	v7 =	vadd.f32 v8, v7  }
0x10b: {  	v0 =	vmul.f32 v0, v0;
	v62 =	vmul.f32 v5, v5;
	v9 =	vadd.f32 v11, v9  }
0x10c: {  	v1 =	vmul.f32 v1, v1;
	v3 =	vadd.f32 v4, v3;
	v2 =	vadd.f32 v2, v7  }
0x10d: {  	v0 =	vadd.f32 v62, v0;
	v61 =	vadd.f32 v19, v9  }
0x10e: {  	v63 =	vmul.f32 v6, v6;
	[tilespmem:s26+$0x4600] =	vst v17;
	v1 =	vadd.f32 v1, v3;
	v2 =	vadd.f32 v18, v2  }
0x10f: {  	s25 =	sadd.s32 $0x1, s25;
	[tilespmem:s26+$0x4480] =	vst v61  }
0x110: {  	p0 =	sne.s32 s25, $0x5;
	v0 =	vadd.f32 v63, v0;
	v1 =	vadd.f32 v15, v1;
	[tilespmem:s29+$0x4480] =	vst v2  }
.Ltmp1:
0x111: {  	[tilespmem:s29+$0x4600] =	vst v16;
	(pc) =	sbr.rel @p0 .LBB2_2-.Ltmp1, $4  }
0x112: {  	v0 =	vadd.f32 v13, v0;
	[tilespmem:s30+$0x4480] =	vst v1  }
0x113: {  	[tilespmem:s30+$0x4600] =	vst v14  }
0x114: {  	[tilespmem:s28+$0x4480] =	vst v0  }
0x115: {  	[tilespmem:s28+$0x4600] =	vst v12  }
0x116: {  	[hbm4b:s10+s2] =	stream.linear.scatter [tilespmem:s22], [sflag:$0x1], $0x140, $0x38;
	[tilespmem:$0x4780] =	vst v63  }
0x117: {  	s24 =	sadd.s32 $0x1, s24;
	_ =	swait.ge [sflag:s13], $0x140  }
0x118: {  	p0 =	sne.s32 s24, s12;
	[sflag:s13] =	ssyncset.done $0x0  }
.Ltmp2:
0x119: {  	[sflag:s13] =	ssyncadd.s32 $0xFFFFFEC0;
	(pc) =	sbr.rel @p0 .LBB2_1-.Ltmp2, $4  }
0x11a: {  	[hbm4b:s11+s2] =	stream.linear.scatter [tilespmem:s23], [sflag:$0x1], $0x140, $0x38;
	[tilespmem:$0x4780] =	vst v63  }
0x11b: {  	_ =	swait.ge [sflag:s13], $0x140  }
0x11c: {  	[sflag:s13] =	ssyncset.done $0x0  }
0x11d: {  	[sflag:s13] =	ssyncadd.s32 $0xFFFFFEC0  }
0x11e: {  	_ =	sfence.sel $0x180000  }
0x11f: {  	[bflag:$0x0] =	sbarrier.arrive $0xFFFF  }
0x120: {  	_ =	strace $0x90000047  }
0x121: {  	s0 =	stileid.u32;
	[bflag:$0x2] =	sbarrier.arrive $0xFFFF  }
0x122: {  	p0 =	sne.s32 s0, $0x0;
	s0 =	rddreg [dreg:$0x3]  }
0x123: {  	s0 =	sadd.s32 @!p0 $0x100000, s0  }
0x124: {  	[sflag:s0] =	ssyncadd.tile.s32 @!p0 $0x1;
	_ =	shalt  }
.Lfunc_end2:
_tile_overlayer_lowered:
.L_overlay_start_2:
0x125: {  	(tag) =	ssettag $0x2  }
0x126: {  	s0 =	rddreg [dreg:$0x0];
	s2 =	stileid.u32  }
0x127: {  	s1 =	rddreg [dreg:$0x1];
	p0 =	sne.s32 s2, $0x0  }
0x128: {  	s3 =	rddreg [dreg:$0x2];
	[bflag:$0x3] =	sbarrier.arrive $0xFFFF;
	s2 =	simm.s32 @!p0 $0x1C01  }
0x129: {  	[timem:s3], [sflag:s2] =	dma.local @!p0 [hbm:s0], s1  }
0x12a: {  	s0 =	simm.s32 @!p0 $0x1  }
0x12b: {  	_ =	swait.ge @!p0 [sflag:s0], s1  }
0x12c: {  	s1 =	ssub.s32 @!p0 $0x0, s1;
	[sflag:s0] =	ssyncset.done @!p0 $0x0  }
0x12d: {  	[sflag:s0] =	ssyncadd.s32 @!p0 s1  }
0x12e: {  	[bflag:$0x3] =	sbarrier.arrive $0xFFFF  }
0x12f: {  	_ =	shalt  }

</sc_bundles>
